<compile_context>
chip_gen: v7x
topology: tpu7x:2x2x1
jax: 0.10.2.dev20260603
libtpu: 0.0.44.dev20260713+nightly
codegen_flags: <defaults>
</compile_context>

<pallas_src>
import functools
import jax
import jax.numpy as jnp
from jax import lax
from jax.experimental import pallas as pl
from jax.experimental.pallas import tpu as pltpu
from jax.experimental.pallas import tpu_sc as plsc

_D = 64
_NC = 2
_NS = 16
_NW = _NC * _NS
_LANES = 16
_BB = 128


def _emb_lookup(x_t, table, B, T):
  assert B == _NW * _BB

  mesh = plsc.VectorSubcoreMesh(
      core_axis_name="c", subcore_axis_name="s",
      num_cores=_NC, num_subcores=_NS)

  @functools.partial(
      pl.kernel,
      out_type=jax.ShapeDtypeStruct((T, _D // 8, B // _BB, 8, _BB),
                                    jnp.float32),
      mesh=mesh,
      compiler_params=pltpu.CompilerParams(use_tc_tiling_on_sc=False,
                                           needs_layout_passes=False),
      scratch_types=[
          pltpu.VMEM((T, _BB), jnp.int32),
          pltpu.VMEM((2, 2 * _BB, _D), jnp.float32),
          pltpu.VMEM((2, 2, 8, 8, _BB + 1), jnp.float32),
          pltpu.SemaphoreType.DMA,
          pltpu.SemaphoreType.DMA,
          pltpu.SemaphoreType.DMA,
          pltpu.SemaphoreType.DMA,
      ],
  )
  def k(xt_hbm, table_hbm, out_hbm, idx_v, rows_v, tiles_v,
        sem0, sem1, osem0, osem1):
    wid = lax.axis_index("s") * _NC + lax.axis_index("c")
    b0 = pl.multiple_of(wid * _BB, _BB)
    pltpu.sync_copy(xt_hbm.at[:, pl.ds(b0, _BB)], idx_v)

    sems = (sem0, sem1)

    def start_gather(c, b):
      t = pl.multiple_of(2 * c, 2)
      pltpu.async_copy(table_hbm.at[idx_v.at[t]],
                       rows_v.at[b, pl.ds(0, _BB)], sems[b])
      pltpu.async_copy(table_hbm.at[idx_v.at[t + 1]],
                       rows_v.at[b, pl.ds(_BB, _BB)], sems[b])

    start_gather(0, 0)
    start_gather(1, 1)

    iota = lax.iota(jnp.int32, _LANES)
    js_g = [lax.shift_right_logical(iota, 3) + 2 * g for g in range(4)]
    jr = lax.bitwise_and(iota, 7)
    osems = (osem0, osem1)

    def pair_body(p, _):
      for b in range(2):
        c = p * 2 + b
        t = pl.multiple_of(2 * c, 2)
        buf = rows_v.at[b]
        st = tiles_v.at[b]
        for _i in range(2):
          pltpu.make_async_copy(table_hbm.at[pl.ds(0, _BB)],
                                buf.at[pl.ds(0, _BB)], sems[b]).wait()
        @pl.when(c >= 2)
        def _():
          pltpu.make_async_copy(out_hbm.at[pl.ds(0, 2), :, 0],
                                st.at[:, :, :, pl.ds(0, _BB)],
                                osems[b]).wait()

        @plsc.parallel_loop(0, 2 * _BB, 1, unroll=8)
        def _permute(r):
          tt_s = jnp.broadcast_to(lax.shift_right_logical(r, 7), (_LANES,))
          bl_s = jnp.broadcast_to(lax.bitwise_and(r, _BB - 1), (_LANES,))
          vs = [buf[r, pl.ds(16 * g, _LANES)] * 8.0 for g in range(4)]
          for g in range(4):
            plsc.store_scatter(st, [tt_s, js_g[g], jr, bl_s], vs[g])

        pltpu.async_copy(st.at[:, :, :, pl.ds(0, _BB)],
                         out_hbm.at[pl.ds(t, 2), :, wid], osems[b])

        @pl.when(c + 2 < T // 2)
        def _():
          start_gather(c + 2, b)
      return ()

    lax.fori_loop(0, T // 4, pair_body, ())
    for b in range(2):
      pltpu.make_async_copy(out_hbm.at[pl.ds(0, 2), :, 0],
                            tiles_v.at[b, :, :, :, pl.ds(0, _BB)],
                            osems[b]).wait()

  return k(x_t, table)


def kernel(x, emb_weight):
  b, t = x.shape
  out5 = _emb_lookup(x.T, emb_weight, b, t)
  out = out5.transpose(2, 4, 0, 1, 3).reshape(b, t, _D)
  return out

# --- scband reference (transcript-rebuilt; emitter-appended) ---
"""Pipeline reference for scband-embeddings-26963804684958 (READ-ONLY COPY).

The authoritative reference and input builder live on the scoring server;
editing this copy changes nothing except your own understanding.
"""

import math
import jax, jax.numpy as jnp
import numpy as np

VOCAB = 1000000
D_MODEL = 64

def setup_inputs(seed: int = 0) -> dict:
    key = jax.random.key(seed)
    k1, k2 = jax.random.split(key)
    x = jax.random.randint(k1, (4096, 200), 0, VOCAB, dtype=jnp.int64 if jax.config.jax_enable_x64 else jnp.int32)
    emb_weight = jax.random.normal(k2, (VOCAB, D_MODEL), dtype=jnp.float32)
    return {"x": x, "emb_weight": emb_weight}

def reference(x, emb_weight):
    # nn.Embedding lookup followed by scaling with sqrt(d_model)
    out = jnp.take(emb_weight, x, axis=0)
    return out * math.sqrt(D_MODEL)

if __name__ == "__main__":
    import jax
    _d = setup_inputs()
    print(jax.jit(kernel)(*tuple(_d.values())))

</pallas_src>

<mosaic_0001>
#map = affine_map<(d0, d1) -> (0, 0)>
#map1 = affine_map<(d0, d1) -> (0, 0, 0, 0, 0)>
module attributes {stable_mosaic.version = 14 : i64} {
  func.func @k(%arg0: i32, %arg1: i32, %arg2: memref<200x4096xi32, #tpu.memory_space<hbm>>, %arg3: memref<1000000x64xf32, #tpu.memory_space<hbm>>, %arg4: memref<200x8x32x8x128xf32, #tpu.memory_space<hbm>>, %arg5: memref<200x128xi32, #tpu.memory_space<vmem>>, %arg6: memref<2x256x64xf32, #tpu.memory_space<vmem>>, %arg7: memref<2x2x8x8x129xf32, #tpu.memory_space<vmem>>, %arg8: memref<!tpu.dma_semaphore, #tpu.memory_space<semaphore_mem>>, %arg9: memref<!tpu.dma_semaphore, #tpu.memory_space<semaphore_mem>>, %arg10: memref<!tpu.dma_semaphore, #tpu.memory_space<semaphore_mem>>, %arg11: memref<!tpu.dma_semaphore, #tpu.memory_space<semaphore_mem>>) attributes {dimension_semantics = [#tpu.dimension_semantics<core_parallel>, #tpu.dimension_semantics<subcore_parallel>], iteration_bounds = array<i64: 2, 16>, scalar_prefetch = 0 : i64, scratch_operands = 7 : i64, tpu.core_type = #tpu.core_type<sc_vector_subcore>, window_params = [{transform_indices = #map}, {transform_indices = #map}, {transform_indices = #map1}]} {
    %mul3A = arith.constant 2 : i32
    %mul3A_0 = arith.muli %arg1, %mul3A : i32
    %add3A = arith.addi %mul3A_0, %arg0 : i32
    %mul3A_1 = arith.constant 128 : i32
    %mul3A_2 = arith.muli %add3A, %mul3A_1 : i32
    %multiple_of3A = tpu.assume_multiple %mul3A_2, 128 : i32
    "tpu.region"() ({
      %run_scoped3A = tpu.sem_alloc : memref<!tpu.dma_semaphore, #tpu.memory_space<semaphore_mem>>
      %dma_start3A_134 = arith.constant 0 : i32
      %dma_start3A_135 = tpu.memref_slice %arg2[%dma_start3A_134, %multiple_of3A] : memref<200x4096xi32, #tpu.memory_space<hbm>> -> memref<200x128xi32, #tpu.memory_space<hbm>>
      %dma_start3A_136 = arith.constant 0 : i32
      %dma_start3A_137 = tpu.memref_slice %arg2[%dma_start3A_136, %multiple_of3A] : memref<200x4096xi32, #tpu.memory_space<hbm>> -> memref<200x128xi32, #tpu.memory_space<hbm>>
      tpu.enqueue_dma source(%dma_start3A_137 : memref<200x128xi32, #tpu.memory_space<hbm>>) target(%arg5 : memref<200x128xi32, #tpu.memory_space<vmem>>) target_semaphore(%run_scoped3A : memref<!tpu.dma_semaphore, #tpu.memory_space<semaphore_mem>>)
      %dma_wait3A_138 = arith.constant 0 : i32
      %dma_wait3A_139 = tpu.memref_slice %arg2[%dma_wait3A_138, %multiple_of3A] : memref<200x4096xi32, #tpu.memory_space<hbm>> -> memref<200x128xi32, #tpu.memory_space<hbm>>
      %dma_wait3A_140 = arith.constant 0 : i32
      %dma_wait3A_141 = tpu.memref_slice %arg2[%dma_wait3A_140, %multiple_of3A] : memref<200x4096xi32, #tpu.memory_space<hbm>> -> memref<200x128xi32, #tpu.memory_space<hbm>>
      tpu.wait_dma2 semaphore(%run_scoped3A : memref<!tpu.dma_semaphore, #tpu.memory_space<semaphore_mem>>) src(%dma_wait3A_141 : memref<200x128xi32, #tpu.memory_space<hbm>>) dst(%arg5 : memref<200x128xi32, #tpu.memory_space<vmem>>)
      tpu.yield
    }) : () -> ()
    %multiple_of3A_3 = arith.constant 0 : i32
    %multiple_of3A_4 = tpu.assume_multiple %multiple_of3A_3, 2 : i32
    %dma_start3A = arith.constant 0 : i32
    %dma_start3A_5 = arith.constant 0 : i32
    %dma_start3A_6 = arith.constant 0 : i32
    %dma_start3A_7 = tpu.memref_slice %arg6[%dma_start3A, %dma_start3A_5, %dma_start3A_6] : memref<2x256x64xf32, #tpu.memory_space<vmem>> -> memref<1x128x64xf32, #tpu.memory_space<vmem>>
    %dma_start3A_8 = tpu.memref_squeeze %dma_start3A_7 : memref<1x128x64xf32, #tpu.memory_space<vmem>> -> memref<128x64xf32, #tpu.memory_space<vmem>>
    %dma_start3A_9 = arith.constant 0 : i32
    %dma_start3A_10 = tpu.memref_slice %arg5[%multiple_of3A_4, %dma_start3A_9] : memref<200x128xi32, #tpu.memory_space<vmem>> -> memref<1x128xi32, #tpu.memory_space<vmem>>
    %dma_start3A_11 = tpu.memref_squeeze %dma_start3A_10 : memref<1x128xi32, #tpu.memory_space<vmem>> -> memref<128xi32, #tpu.memory_space<vmem>>
    %dma_start3A_12 = arith.constant 0 : i32
    %dma_start3A_13 = arith.constant 0 : i32
    %dma_start3A_14 = tpu.memref_slice %arg3[%dma_start3A_12, %dma_start3A_13] : memref<1000000x64xf32, #tpu.memory_space<hbm>> -> memref<1000000x64xf32, #tpu.memory_space<hbm>>
    tpu.enqueue_indirect_dma source(%dma_start3A_14 : memref<1000000x64xf32, #tpu.memory_space<hbm>>) target(%dma_start3A_8 : memref<128x64xf32, #tpu.memory_space<vmem>>) offsets(%dma_start3A_11 : memref<128xi32, #tpu.memory_space<vmem>>) semaphore(%arg8 : memref<!tpu.dma_semaphore, #tpu.memory_space<semaphore_mem>>)
    %add3A_15 = arith.constant 1 : i32
    %add3A_16 = arith.addi %multiple_of3A_4, %add3A_15 : i32
    %dma_start3A_17 = arith.constant 0 : i32
    %dma_start3A_18 = arith.constant 128 : i32
    %dma_start3A_19 = arith.constant 0 : i32
    %dma_start3A_20 = tpu.memref_slice %arg6[%dma_start3A_17, %dma_start3A_18, %dma_start3A_19] : memref<2x256x64xf32, #tpu.memory_space<vmem>> -> memref<1x128x64xf32, #tpu.memory_space<vmem>>
    %dma_start3A_21 = tpu.memref_squeeze %dma_start3A_20 : memref<1x128x64xf32, #tpu.memory_space<vmem>> -> memref<128x64xf32, #tpu.memory_space<vmem>>
    %dma_start3A_22 = arith.constant 0 : i32
    %dma_start3A_23 = tpu.memref_slice %arg5[%add3A_16, %dma_start3A_22] : memref<200x128xi32, #tpu.memory_space<vmem>> -> memref<1x128xi32, #tpu.memory_space<vmem>>
    %dma_start3A_24 = tpu.memref_squeeze %dma_start3A_23 : memref<1x128xi32, #tpu.memory_space<vmem>> -> memref<128xi32, #tpu.memory_space<vmem>>
    %dma_start3A_25 = arith.constant 0 : i32
    %dma_start3A_26 = arith.constant 0 : i32
    %dma_start3A_27 = tpu.memref_slice %arg3[%dma_start3A_25, %dma_start3A_26] : memref<1000000x64xf32, #tpu.memory_space<hbm>> -> memref<1000000x64xf32, #tpu.memory_space<hbm>>
    tpu.enqueue_indirect_dma source(%dma_start3A_27 : memref<1000000x64xf32, #tpu.memory_space<hbm>>) target(%dma_start3A_21 : memref<128x64xf32, #tpu.memory_space<vmem>>) offsets(%dma_start3A_24 : memref<128xi32, #tpu.memory_space<vmem>>) semaphore(%arg8 : memref<!tpu.dma_semaphore, #tpu.memory_space<semaphore_mem>>)
    %multiple_of3A_28 = arith.constant 2 : i32
    %multiple_of3A_29 = tpu.assume_multiple %multiple_of3A_28, 2 : i32
    %dma_start3A_30 = arith.constant 1 : i32
    %dma_start3A_31 = arith.constant 0 : i32
    %dma_start3A_32 = arith.constant 0 : i32
    %dma_start3A_33 = tpu.memref_slice %arg6[%dma_start3A_30, %dma_start3A_31, %dma_start3A_32] : memref<2x256x64xf32, #tpu.memory_space<vmem>> -> memref<1x128x64xf32, #tpu.memory_space<vmem>>
    %dma_start3A_34 = tpu.memref_squeeze %dma_start3A_33 : memref<1x128x64xf32, #tpu.memory_space<vmem>> -> memref<128x64xf32, #tpu.memory_space<vmem>>
    %dma_start3A_35 = arith.constant 0 : i32
    %dma_start3A_36 = tpu.memref_slice %arg5[%multiple_of3A_29, %dma_start3A_35] : memref<200x128xi32, #tpu.memory_space<vmem>> -> memref<1x128xi32, #tpu.memory_space<vmem>>
    %dma_start3A_37 = tpu.memref_squeeze %dma_start3A_36 : memref<1x128xi32, #tpu.memory_space<vmem>> -> memref<128xi32, #tpu.memory_space<vmem>>
    %dma_start3A_38 = arith.constant 0 : i32
    %dma_start3A_39 = arith.constant 0 : i32
    %dma_start3A_40 = tpu.memref_slice %arg3[%dma_start3A_38, %dma_start3A_39] : memref<1000000x64xf32, #tpu.memory_space<hbm>> -> memref<1000000x64xf32, #tpu.memory_space<hbm>>
    tpu.enqueue_indirect_dma source(%dma_start3A_40 : memref<1000000x64xf32, #tpu.memory_space<hbm>>) target(%dma_start3A_34 : memref<128x64xf32, #tpu.memory_space<vmem>>) offsets(%dma_start3A_37 : memref<128xi32, #tpu.memory_space<vmem>>) semaphore(%arg9 : memref<!tpu.dma_semaphore, #tpu.memory_space<semaphore_mem>>)
    %add3A_41 = arith.constant 1 : i32
    %add3A_42 = arith.addi %multiple_of3A_29, %add3A_41 : i32
    %dma_start3A_43 = arith.constant 1 : i32
    %dma_start3A_44 = arith.constant 128 : i32
    %dma_start3A_45 = arith.constant 0 : i32
    %dma_start3A_46 = tpu.memref_slice %arg6[%dma_start3A_43, %dma_start3A_44, %dma_start3A_45] : memref<2x256x64xf32, #tpu.memory_space<vmem>> -> memref<1x128x64xf32, #tpu.memory_space<vmem>>
    %dma_start3A_47 = tpu.memref_squeeze %dma_start3A_46 : memref<1x128x64xf32, #tpu.memory_space<vmem>> -> memref<128x64xf32, #tpu.memory_space<vmem>>
    %dma_start3A_48 = arith.constant 0 : i32
    %dma_start3A_49 = tpu.memref_slice %arg5[%add3A_42, %dma_start3A_48] : memref<200x128xi32, #tpu.memory_space<vmem>> -> memref<1x128xi32, #tpu.memory_space<vmem>>
    %dma_start3A_50 = tpu.memref_squeeze %dma_start3A_49 : memref<1x128xi32, #tpu.memory_space<vmem>> -> memref<128xi32, #tpu.memory_space<vmem>>
    %dma_start3A_51 = arith.constant 0 : i32
    %dma_start3A_52 = arith.constant 0 : i32
    %dma_start3A_53 = tpu.memref_slice %arg3[%dma_start3A_51, %dma_start3A_52] : memref<1000000x64xf32, #tpu.memory_space<hbm>> -> memref<1000000x64xf32, #tpu.memory_space<hbm>>
    tpu.enqueue_indirect_dma source(%dma_start3A_53 : memref<1000000x64xf32, #tpu.memory_space<hbm>>) target(%dma_start3A_47 : memref<128x64xf32, #tpu.memory_space<vmem>>) offsets(%dma_start3A_50 : memref<128xi32, #tpu.memory_space<vmem>>) semaphore(%arg9 : memref<!tpu.dma_semaphore, #tpu.memory_space<semaphore_mem>>)
    %iota3A = tpu.iota {dimensions = array<i32: 0>} : vector<16xi32>
    %shift_right_logical3A = arith.constant 3 : i32
    %shift_right_logical3A_54 = vector.broadcast %shift_right_logical3A : i32 to vector<16xi32>
    %shift_right_logical3A_55 = arith.shrui %iota3A, %shift_right_logical3A_54 : vector<16xi32>
    %add3A_56 = arith.constant 0 : i32
    %add3A_57 = vector.broadcast %add3A_56 : i32 to vector<16xi32>
    %add3A_58 = arith.addi %shift_right_logical3A_55, %add3A_57 : vector<16xi32>
    %shift_right_logical3A_59 = arith.constant 3 : i32
    %shift_right_logical3A_60 = vector.broadcast %shift_right_logical3A_59 : i32 to vector<16xi32>
    %shift_right_logical3A_61 = arith.shrui %iota3A, %shift_right_logical3A_60 : vector<16xi32>
    %add3A_62 = arith.constant 2 : i32
    %add3A_63 = vector.broadcast %add3A_62 : i32 to vector<16xi32>
    %add3A_64 = arith.addi %shift_right_logical3A_61, %add3A_63 : vector<16xi32>
    %shift_right_logical3A_65 = arith.constant 3 : i32
    %shift_right_logical3A_66 = vector.broadcast %shift_right_logical3A_65 : i32 to vector<16xi32>
    %shift_right_logical3A_67 = arith.shrui %iota3A, %shift_right_logical3A_66 : vector<16xi32>
    %add3A_68 = arith.constant 4 : i32
    %add3A_69 = vector.broadcast %add3A_68 : i32 to vector<16xi32>
    %add3A_70 = arith.addi %shift_right_logical3A_67, %add3A_69 : vector<16xi32>
    %shift_right_logical3A_71 = arith.constant 3 : i32
    %shift_right_logical3A_72 = vector.broadcast %shift_right_logical3A_71 : i32 to vector<16xi32>
    %shift_right_logical3A_73 = arith.shrui %iota3A, %shift_right_logical3A_72 : vector<16xi32>
    %add3A_74 = arith.constant 6 : i32
    %add3A_75 = vector.broadcast %add3A_74 : i32 to vector<16xi32>
    %add3A_76 = arith.addi %shift_right_logical3A_73, %add3A_75 : vector<16xi32>
    %and3A = arith.constant 7 : i32
    %and3A_77 = vector.broadcast %and3A : i32 to vector<16xi32>
    %and3A_78 = arith.andi %iota3A, %and3A_77 : vector<16xi32>
    %scan3A = arith.constant 0 : i32
    %scan3A_79 = arith.constant 50 : i32
    %scan3A_80 = arith.addi %scan3A, %scan3A_79 : i32
    %scan3A_81 = arith.constant 1 : i32
    scf.for %scan3A_134 = %scan3A to %scan3A_80 step %scan3A_81  : i32 {
      %mul3A_135 = arith.constant 2 : i32
      %mul3A_136 = arith.muli %scan3A_134, %mul3A_135 : i32
      %add3A_137 = arith.constant 0 : i32
      %add3A_138 = arith.addi %mul3A_136, %add3A_137 : i32
      %mul3A_139 = arith.constant 2 : i32
      %mul3A_140 = arith.muli %mul3A_139, %add3A_138 : i32
      %multiple_of3A_141 = tpu.assume_multiple %mul3A_140, 2 : i32
      %dma_wait3A_142 = arith.constant 0 : i32
      %dma_wait3A_143 = arith.constant 0 : i32
      %dma_wait3A_144 = arith.constant 0 : i32
      %dma_wait3A_145 = tpu.memref_slice %arg6[%dma_wait3A_142, %dma_wait3A_143, %dma_wait3A_144] : memref<2x256x64xf32, #tpu.memory_space<vmem>> -> memref<1x256x64xf32, #tpu.memory_space<vmem>>
      %dma_wait3A_146 = tpu.memref_squeeze %dma_wait3A_145 : memref<1x256x64xf32, #tpu.memory_space<vmem>> -> memref<256x64xf32, #tpu.memory_space<vmem>>
      %dma_wait3A_147 = arith.constant 0 : i32
      %dma_wait3A_148 = arith.constant 0 : i32
      %dma_wait3A_149 = tpu.memref_slice %dma_wait3A_146[%dma_wait3A_147, %dma_wait3A_148] : memref<256x64xf32, #tpu.memory_space<vmem>> -> memref<128x64xf32, #tpu.memory_space<vmem>>
      %dma_wait3A_150 = arith.constant 0 : i32
      %dma_wait3A_151 = arith.constant 0 : i32
      %dma_wait3A_152 = tpu.memref_slice %arg3[%dma_wait3A_150, %dma_wait3A_151] : memref<1000000x64xf32, #tpu.memory_space<hbm>> -> memref<128x64xf32, #tpu.memory_space<hbm>>
      %dma_wait3A_153 = arith.constant 0 : i32
      %dma_wait3A_154 = arith.constant 0 : i32
      %dma_wait3A_155 = tpu.memref_slice %arg6[%dma_wait3A_142, %dma_wait3A_153, %dma_wait3A_154] : memref<2x256x64xf32, #tpu.memory_space<vmem>> -> memref<1x256x64xf32, #tpu.memory_space<vmem>>
      %dma_wait3A_156 = tpu.memref_squeeze %dma_wait3A_155 : memref<1x256x64xf32, #tpu.memory_space<vmem>> -> memref<256x64xf32, #tpu.memory_space<vmem>>
      %dma_wait3A_157 = arith.constant 0 : i32
      %dma_wait3A_158 = arith.constant 0 : i32
      %dma_wait3A_159 = tpu.memref_slice %dma_wait3A_156[%dma_wait3A_157, %dma_wait3A_158] : memref<256x64xf32, #tpu.memory_space<vmem>> -> memref<128x64xf32, #tpu.memory_space<vmem>>
      %dma_wait3A_160 = arith.constant 0 : i32
      %dma_wait3A_161 = arith.constant 0 : i32
      %dma_wait3A_162 = tpu.memref_slice %arg3[%dma_wait3A_160, %dma_wait3A_161] : memref<1000000x64xf32, #tpu.memory_space<hbm>> -> memref<128x64xf32, #tpu.memory_space<hbm>>
      tpu.wait_dma2 semaphore(%arg8 : memref<!tpu.dma_semaphore, #tpu.memory_space<semaphore_mem>>) src(%dma_wait3A_162 : memref<128x64xf32, #tpu.memory_space<hbm>>) dst(%dma_wait3A_159 : memref<128x64xf32, #tpu.memory_space<vmem>>)
      %dma_wait3A_163 = arith.constant 0 : i32
      %dma_wait3A_164 = arith.constant 0 : i32
      %dma_wait3A_165 = arith.constant 0 : i32
      %dma_wait3A_166 = tpu.memref_slice %arg6[%dma_wait3A_163, %dma_wait3A_164, %dma_wait3A_165] : memref<2x256x64xf32, #tpu.memory_space<vmem>> -> memref<1x256x64xf32, #tpu.memory_space<vmem>>
      %dma_wait3A_167 = tpu.memref_squeeze %dma_wait3A_166 : memref<1x256x64xf32, #tpu.memory_space<vmem>> -> memref<256x64xf32, #tpu.memory_space<vmem>>
      %dma_wait3A_168 = arith.constant 0 : i32
      %dma_wait3A_169 = arith.constant 0 : i32
      %dma_wait3A_170 = tpu.memref_slice %dma_wait3A_167[%dma_wait3A_168, %dma_wait3A_169] : memref<256x64xf32, #tpu.memory_space<vmem>> -> memref<128x64xf32, #tpu.memory_space<vmem>>
      %dma_wait3A_171 = arith.constant 0 : i32
      %dma_wait3A_172 = arith.constant 0 : i32
      %dma_wait3A_173 = tpu.memref_slice %arg3[%dma_wait3A_171, %dma_wait3A_172] : memref<1000000x64xf32, #tpu.memory_space<hbm>> -> memref<128x64xf32, #tpu.memory_space<hbm>>
      %dma_wait3A_174 = arith.constant 0 : i32
      %dma_wait3A_175 = arith.constant 0 : i32
      %dma_wait3A_176 = tpu.memref_slice %arg6[%dma_wait3A_163, %dma_wait3A_174, %dma_wait3A_175] : memref<2x256x64xf32, #tpu.memory_space<vmem>> -> memref<1x256x64xf32, #tpu.memory_space<vmem>>
      %dma_wait3A_177 = tpu.memref_squeeze %dma_wait3A_176 : memref<1x256x64xf32, #tpu.memory_space<vmem>> -> memref<256x64xf32, #tpu.memory_space<vmem>>
      %dma_wait3A_178 = arith.constant 0 : i32
      %dma_wait3A_179 = arith.constant 0 : i32
      %dma_wait3A_180 = tpu.memref_slice %dma_wait3A_177[%dma_wait3A_178, %dma_wait3A_179] : memref<256x64xf32, #tpu.memory_space<vmem>> -> memref<128x64xf32, #tpu.memory_space<vmem>>
      %dma_wait3A_181 = arith.constant 0 : i32
      %dma_wait3A_182 = arith.constant 0 : i32
      %dma_wait3A_183 = tpu.memref_slice %arg3[%dma_wait3A_181, %dma_wait3A_182] : memref<1000000x64xf32, #tpu.memory_space<hbm>> -> memref<128x64xf32, #tpu.memory_space<hbm>>
      tpu.wait_dma2 semaphore(%arg8 : memref<!tpu.dma_semaphore, #tpu.memory_space<semaphore_mem>>) src(%dma_wait3A_183 : memref<128x64xf32, #tpu.memory_space<hbm>>) dst(%dma_wait3A_180 : memref<128x64xf32, #tpu.memory_space<vmem>>)
      %ge3A = arith.constant 2 : i32
      %ge3A_184 = arith.cmpi sge, %add3A_138, %ge3A : i32
      %convert_element_type3A = arith.extui %ge3A_184 : i1 to i32
      %cond3A = arith.constant 0 : i32
      %cond3A_185 = arith.constant 0 : i32
      %cond3A_186 = arith.cmpi ne, %convert_element_type3A, %cond3A_185 : i32
      scf.if %cond3A_186 {
        %dma_wait3A_330 = arith.constant 0 : i32
        %dma_wait3A_331 = arith.constant 0 : i32
        %dma_wait3A_332 = arith.constant 0 : i32
        %dma_wait3A_333 = arith.constant 0 : i32
        %dma_wait3A_334 = arith.constant 0 : i32
        %dma_wait3A_335 = tpu.memref_slice %arg7[%cond3A, %dma_wait3A_331, %dma_wait3A_332, %dma_wait3A_333, %dma_wait3A_334] : memref<2x2x8x8x129xf32, #tpu.memory_space<vmem>> -> memref<1x2x8x8x129xf32, #tpu.memory_space<vmem>>
        %dma_wait3A_336 = tpu.memref_squeeze %dma_wait3A_335 : memref<1x2x8x8x129xf32, #tpu.memory_space<vmem>> -> memref<2x8x8x129xf32, #tpu.memory_space<vmem>>
        %dma_wait3A_337 = arith.constant 0 : i32
        %dma_wait3A_338 = arith.constant 0 : i32
        %dma_wait3A_339 = arith.constant 0 : i32
        %dma_wait3A_340 = arith.constant 0 : i32
        %dma_wait3A_341 = tpu.memref_slice %dma_wait3A_336[%dma_wait3A_337, %dma_wait3A_338, %dma_wait3A_339, %dma_wait3A_340] : memref<2x8x8x129xf32, #tpu.memory_space<vmem>> -> memref<2x8x8x128xf32, #tpu.memory_space<vmem>>
        %dma_wait3A_342 = arith.constant 0 : i32
        %dma_wait3A_343 = arith.constant 0 : i32
        %dma_wait3A_344 = arith.constant 0 : i32
        %dma_wait3A_345 = arith.constant 0 : i32
        %dma_wait3A_346 = tpu.memref_slice %arg4[%dma_wait3A_342, %dma_wait3A_343, %dma_wait3A_330, %dma_wait3A_344, %dma_wait3A_345] : memref<200x8x32x8x128xf32, #tpu.memory_space<hbm>> -> memref<2x8x1x8x128xf32, #tpu.memory_space<hbm>>
        %dma_wait3A_347 = tpu.memref_squeeze %dma_wait3A_346 : memref<2x8x1x8x128xf32, #tpu.memory_space<hbm>> -> memref<2x8x8x128xf32, #tpu.memory_space<hbm>>
        %dma_wait3A_348 = arith.constant 0 : i32
        %dma_wait3A_349 = arith.constant 0 : i32
        %dma_wait3A_350 = arith.constant 0 : i32
        %dma_wait3A_351 = arith.constant 0 : i32
        %dma_wait3A_352 = tpu.memref_slice %arg7[%cond3A, %dma_wait3A_348, %dma_wait3A_349, %dma_wait3A_350, %dma_wait3A_351] : memref<2x2x8x8x129xf32, #tpu.memory_space<vmem>> -> memref<1x2x8x8x129xf32, #tpu.memory_space<vmem>>
        %dma_wait3A_353 = tpu.memref_squeeze %dma_wait3A_352 : memref<1x2x8x8x129xf32, #tpu.memory_space<vmem>> -> memref<2x8x8x129xf32, #tpu.memory_space<vmem>>
        %dma_wait3A_354 = arith.constant 0 : i32
        %dma_wait3A_355 = arith.constant 0 : i32
        %dma_wait3A_356 = arith.constant 0 : i32
        %dma_wait3A_357 = arith.constant 0 : i32
        %dma_wait3A_358 = tpu.memref_slice %dma_wait3A_353[%dma_wait3A_354, %dma_wait3A_355, %dma_wait3A_356, %dma_wait3A_357] : memref<2x8x8x129xf32, #tpu.memory_space<vmem>> -> memref<2x8x8x128xf32, #tpu.memory_space<vmem>>
        %dma_wait3A_359 = arith.constant 0 : i32
        %dma_wait3A_360 = arith.constant 0 : i32
        %dma_wait3A_361 = arith.constant 0 : i32
        %dma_wait3A_362 = arith.constant 0 : i32
        %dma_wait3A_363 = tpu.memref_slice %arg4[%dma_wait3A_359, %dma_wait3A_360, %dma_wait3A_330, %dma_wait3A_361, %dma_wait3A_362] : memref<200x8x32x8x128xf32, #tpu.memory_space<hbm>> -> memref<2x8x1x8x128xf32, #tpu.memory_space<hbm>>
        %dma_wait3A_364 = tpu.memref_squeeze %dma_wait3A_363 : memref<2x8x1x8x128xf32, #tpu.memory_space<hbm>> -> memref<2x8x8x128xf32, #tpu.memory_space<hbm>>
        tpu.wait_dma2 semaphore(%arg10 : memref<!tpu.dma_semaphore, #tpu.memory_space<semaphore_mem>>) src(%dma_wait3A_364 : memref<2x8x8x128xf32, #tpu.memory_space<hbm>>) dst(%dma_wait3A_358 : memref<2x8x8x128xf32, #tpu.memory_space<vmem>>)
      } else {
      }
      %parallel_loop3A = arith.constant 0 : i32
      %parallel_loop3A_187 = arith.constant 256 : i32
      %parallel_loop3A_188 = arith.constant 1 : i32
      %parallel_loop3A_189 = arith.constant 0 : i32
      %parallel_loop3A_190 = arith.constant 0 : i32
      scf.for %parallel_loop3A_330 = %parallel_loop3A to %parallel_loop3A_187 step %parallel_loop3A_188  : i32 {
        %parallel_loop3A_331 = arith.constant 7 : i32
        %parallel_loop3A_332 = arith.shrui %parallel_loop3A_330, %parallel_loop3A_331 : i32
        %parallel_loop3A_333 = vector.broadcast %parallel_loop3A_332 : i32 to vector<16xi32>
        %parallel_loop3A_334 = arith.constant 127 : i32
        %parallel_loop3A_335 = arith.andi %parallel_loop3A_330, %parallel_loop3A_334 : i32
        %parallel_loop3A_336 = vector.broadcast %parallel_loop3A_335 : i32 to vector<16xi32>
        %parallel_loop3A_337 = arith.constant 0 : i32
        %parallel_loop3A_338 = arith.constant 0 : i32
        %parallel_loop3A_339 = tpu.memref_slice %arg6[%parallel_loop3A_189, %parallel_loop3A_337, %parallel_loop3A_338] : memref<2x256x64xf32, #tpu.memory_space<vmem>> -> memref<1x256x64xf32, #tpu.memory_space<vmem>>
        %parallel_loop3A_340 = tpu.memref_squeeze %parallel_loop3A_339 : memref<1x256x64xf32, #tpu.memory_space<vmem>> -> memref<256x64xf32, #tpu.memory_space<vmem>>
        %parallel_loop3A_341 = arith.index_cast %parallel_loop3A_330 : i32 to index
        %parallel_loop3A_342 = arith.constant 0 : index
        %parallel_loop3A_343 = tpu.vector_load %parallel_loop3A_340[%parallel_loop3A_341, %parallel_loop3A_342] {strides = array<i32>} : memref<256x64xf32, #tpu.memory_space<vmem>>, vector<16xf32>,
        %parallel_loop3A_344 = arith.constant 8.000000e+00 : f32
        %parallel_loop3A_345 = vector.broadcast %parallel_loop3A_344 : f32 to vector<16xf32>
        %parallel_loop3A_346 = arith.mulf %parallel_loop3A_343, %parallel_loop3A_345 : vector<16xf32>
        %parallel_loop3A_347 = arith.constant 0 : i32
        %parallel_loop3A_348 = arith.constant 0 : i32
        %parallel_loop3A_349 = tpu.memref_slice %arg6[%parallel_loop3A_189, %parallel_loop3A_347, %parallel_loop3A_348] : memref<2x256x64xf32, #tpu.memory_space<vmem>> -> memref<1x256x64xf32, #tpu.memory_space<vmem>>
        %parallel_loop3A_350 = tpu.memref_squeeze %parallel_loop3A_349 : memref<1x256x64xf32, #tpu.memory_space<vmem>> -> memref<256x64xf32, #tpu.memory_space<vmem>>
        %parallel_loop3A_351 = arith.index_cast %parallel_loop3A_330 : i32 to index
        %parallel_loop3A_352 = arith.constant 16 : index
        %parallel_loop3A_353 = tpu.vector_load %parallel_loop3A_350[%parallel_loop3A_351, %parallel_loop3A_352] {strides = array<i32>} : memref<256x64xf32, #tpu.memory_space<vmem>>, vector<16xf32>,
        %parallel_loop3A_354 = arith.constant 8.000000e+00 : f32
        %parallel_loop3A_355 = vector.broadcast %parallel_loop3A_354 : f32 to vector<16xf32>
        %parallel_loop3A_356 = arith.mulf %parallel_loop3A_353, %parallel_loop3A_355 : vector<16xf32>
        %parallel_loop3A_357 = arith.constant 0 : i32
        %parallel_loop3A_358 = arith.constant 0 : i32
        %parallel_loop3A_359 = tpu.memref_slice %arg6[%parallel_loop3A_189, %parallel_loop3A_357, %parallel_loop3A_358] : memref<2x256x64xf32, #tpu.memory_space<vmem>> -> memref<1x256x64xf32, #tpu.memory_space<vmem>>
        %parallel_loop3A_360 = tpu.memref_squeeze %parallel_loop3A_359 : memref<1x256x64xf32, #tpu.memory_space<vmem>> -> memref<256x64xf32, #tpu.memory_space<vmem>>
        %parallel_loop3A_361 = arith.index_cast %parallel_loop3A_330 : i32 to index
        %parallel_loop3A_362 = arith.constant 32 : index
        %parallel_loop3A_363 = tpu.vector_load %parallel_loop3A_360[%parallel_loop3A_361, %parallel_loop3A_362] {strides = array<i32>} : memref<256x64xf32, #tpu.memory_space<vmem>>, vector<16xf32>,
        %parallel_loop3A_364 = arith.constant 8.000000e+00 : f32
        %parallel_loop3A_365 = vector.broadcast %parallel_loop3A_364 : f32 to vector<16xf32>
        %parallel_loop3A_366 = arith.mulf %parallel_loop3A_363, %parallel_loop3A_365 : vector<16xf32>
        %parallel_loop3A_367 = arith.constant 0 : i32
        %parallel_loop3A_368 = arith.constant 0 : i32
        %parallel_loop3A_369 = tpu.memref_slice %arg6[%parallel_loop3A_189, %parallel_loop3A_367, %parallel_loop3A_368] : memref<2x256x64xf32, #tpu.memory_space<vmem>> -> memref<1x256x64xf32, #tpu.memory_space<vmem>>
        %parallel_loop3A_370 = tpu.memref_squeeze %parallel_loop3A_369 : memref<1x256x64xf32, #tpu.memory_space<vmem>> -> memref<256x64xf32, #tpu.memory_space<vmem>>
        %parallel_loop3A_371 = arith.index_cast %parallel_loop3A_330 : i32 to index
        %parallel_loop3A_372 = arith.constant 48 : index
        %parallel_loop3A_373 = tpu.vector_load %parallel_loop3A_370[%parallel_loop3A_371, %parallel_loop3A_372] {strides = array<i32>} : memref<256x64xf32, #tpu.memory_space<vmem>>, vector<16xf32>,
        %parallel_loop3A_374 = arith.constant 8.000000e+00 : f32
        %parallel_loop3A_375 = vector.broadcast %parallel_loop3A_374 : f32 to vector<16xf32>
        %parallel_loop3A_376 = arith.mulf %parallel_loop3A_373, %parallel_loop3A_375 : vector<16xf32>
        %parallel_loop3A_377 = arith.constant 0 : i32
        %parallel_loop3A_378 = arith.constant 0 : i32
        %parallel_loop3A_379 = arith.constant 0 : i32
        %parallel_loop3A_380 = arith.constant 0 : i32
        %parallel_loop3A_381 = tpu.memref_slice %arg7[%parallel_loop3A_190, %parallel_loop3A_377, %parallel_loop3A_378, %parallel_loop3A_379, %parallel_loop3A_380] : memref<2x2x8x8x129xf32, #tpu.memory_space<vmem>> -> memref<1x2x8x8x129xf32, #tpu.memory_space<vmem>>
        %parallel_loop3A_382 = tpu.memref_squeeze %parallel_loop3A_381 : memref<1x2x8x8x129xf32, #tpu.memory_space<vmem>> -> memref<2x8x8x129xf32, #tpu.memory_space<vmem>>
        tpu.vector_store_idx %parallel_loop3A_382[%parallel_loop3A_333, %add3A_58, %and3A_78, %parallel_loop3A_336], %parallel_loop3A_346 : memref<2x8x8x129xf32, #tpu.memory_space<vmem>>[vector<16xi32>, vector<16xi32>, vector<16xi32>, vector<16xi32>], vector<16xf32>,
        %parallel_loop3A_383 = arith.constant 0 : i32
        %parallel_loop3A_384 = arith.constant 0 : i32
        %parallel_loop3A_385 = arith.constant 0 : i32
        %parallel_loop3A_386 = arith.constant 0 : i32
        %parallel_loop3A_387 = tpu.memref_slice %arg7[%parallel_loop3A_190, %parallel_loop3A_383, %parallel_loop3A_384, %parallel_loop3A_385, %parallel_loop3A_386] : memref<2x2x8x8x129xf32, #tpu.memory_space<vmem>> -> memref<1x2x8x8x129xf32, #tpu.memory_space<vmem>>
        %parallel_loop3A_388 = tpu.memref_squeeze %parallel_loop3A_387 : memref<1x2x8x8x129xf32, #tpu.memory_space<vmem>> -> memref<2x8x8x129xf32, #tpu.memory_space<vmem>>
        tpu.vector_store_idx %parallel_loop3A_388[%parallel_loop3A_333, %add3A_64, %and3A_78, %parallel_loop3A_336], %parallel_loop3A_356 : memref<2x8x8x129xf32, #tpu.memory_space<vmem>>[vector<16xi32>, vector<16xi32>, vector<16xi32>, vector<16xi32>], vector<16xf32>,
        %parallel_loop3A_389 = arith.constant 0 : i32
        %parallel_loop3A_390 = arith.constant 0 : i32
        %parallel_loop3A_391 = arith.constant 0 : i32
        %parallel_loop3A_392 = arith.constant 0 : i32
        %parallel_loop3A_393 = tpu.memref_slice %arg7[%parallel_loop3A_190, %parallel_loop3A_389, %parallel_loop3A_390, %parallel_loop3A_391, %parallel_loop3A_392] : memref<2x2x8x8x129xf32, #tpu.memory_space<vmem>> -> memref<1x2x8x8x129xf32, #tpu.memory_space<vmem>>
        %parallel_loop3A_394 = tpu.memref_squeeze %parallel_loop3A_393 : memref<1x2x8x8x129xf32, #tpu.memory_space<vmem>> -> memref<2x8x8x129xf32, #tpu.memory_space<vmem>>
        tpu.vector_store_idx %parallel_loop3A_394[%parallel_loop3A_333, %add3A_70, %and3A_78, %parallel_loop3A_336], %parallel_loop3A_366 : memref<2x8x8x129xf32, #tpu.memory_space<vmem>>[vector<16xi32>, vector<16xi32>, vector<16xi32>, vector<16xi32>], vector<16xf32>,
        %parallel_loop3A_395 = arith.constant 0 : i32
        %parallel_loop3A_396 = arith.constant 0 : i32
        %parallel_loop3A_397 = arith.constant 0 : i32
        %parallel_loop3A_398 = arith.constant 0 : i32
        %parallel_loop3A_399 = tpu.memref_slice %arg7[%parallel_loop3A_190, %parallel_loop3A_395, %parallel_loop3A_396, %parallel_loop3A_397, %parallel_loop3A_398] : memref<2x2x8x8x129xf32, #tpu.memory_space<vmem>> -> memref<1x2x8x8x129xf32, #tpu.memory_space<vmem>>
        %parallel_loop3A_400 = tpu.memref_squeeze %parallel_loop3A_399 : memref<1x2x8x8x129xf32, #tpu.memory_space<vmem>> -> memref<2x8x8x129xf32, #tpu.memory_space<vmem>>
        tpu.vector_store_idx %parallel_loop3A_400[%parallel_loop3A_333, %add3A_76, %and3A_78, %parallel_loop3A_336], %parallel_loop3A_376 : memref<2x8x8x129xf32, #tpu.memory_space<vmem>>[vector<16xi32>, vector<16xi32>, vector<16xi32>, vector<16xi32>], vector<16xf32>,
      } {sc.loop_unroll_factor = 8 : i64, sc.parallel_access}
      %dma_start3A_191 = arith.constant 0 : i32
      %dma_start3A_192 = arith.constant 0 : i32
      %dma_start3A_193 = arith.constant 0 : i32
      %dma_start3A_194 = arith.constant 0 : i32
      %dma_start3A_195 = arith.constant 0 : i32
      %dma_start3A_196 = tpu.memref_slice %arg7[%dma_start3A_191, %dma_start3A_192, %dma_start3A_193, %dma_start3A_194, %dma_start3A_195] : memref<2x2x8x8x129xf32, #tpu.memory_space<vmem>> -> memref<1x2x8x8x129xf32, #tpu.memory_space<vmem>>
      %dma_start3A_197 = tpu.memref_squeeze %dma_start3A_196 : memref<1x2x8x8x129xf32, #tpu.memory_space<vmem>> -> memref<2x8x8x129xf32, #tpu.memory_space<vmem>>
      %dma_start3A_198 = arith.constant 0 : i32
      %dma_start3A_199 = arith.constant 0 : i32
      %dma_start3A_200 = arith.constant 0 : i32
      %dma_start3A_201 = arith.constant 0 : i32
      %dma_start3A_202 = tpu.memref_slice %dma_start3A_197[%dma_start3A_198, %dma_start3A_199, %dma_start3A_200, %dma_start3A_201] : memref<2x8x8x129xf32, #tpu.memory_space<vmem>> -> memref<2x8x8x128xf32, #tpu.memory_space<vmem>>
      %dma_start3A_203 = arith.constant 0 : i32
      %dma_start3A_204 = arith.constant 0 : i32
      %dma_start3A_205 = arith.constant 0 : i32
      %dma_start3A_206 = tpu.memref_slice %arg4[%multiple_of3A_141, %dma_start3A_203, %add3A, %dma_start3A_204, %dma_start3A_205] : memref<200x8x32x8x128xf32, #tpu.memory_space<hbm>> -> memref<2x8x1x8x128xf32, #tpu.memory_space<hbm>>
      %dma_start3A_207 = tpu.memref_squeeze %dma_start3A_206 : memref<2x8x1x8x128xf32, #tpu.memory_space<hbm>> -> memref<2x8x8x128xf32, #tpu.memory_space<hbm>>
      %dma_start3A_208 = arith.constant 0 : i32
      %dma_start3A_209 = arith.constant 0 : i32
      %dma_start3A_210 = arith.constant 0 : i32
      %dma_start3A_211 = tpu.memref_slice %arg4[%multiple_of3A_141, %dma_start3A_208, %add3A, %dma_start3A_209, %dma_start3A_210] : memref<200x8x32x8x128xf32, #tpu.memory_space<hbm>> -> memref<2x8x1x8x128xf32, #tpu.memory_space<hbm>>
      %dma_start3A_212 = tpu.memref_squeeze %dma_start3A_211 : memref<2x8x1x8x128xf32, #tpu.memory_space<hbm>> -> memref<2x8x8x128xf32, #tpu.memory_space<hbm>>
      %dma_start3A_213 = arith.constant 0 : i32
      %dma_start3A_214 = arith.constant 0 : i32
      %dma_start3A_215 = arith.constant 0 : i32
      %dma_start3A_216 = arith.constant 0 : i32
      %dma_start3A_217 = tpu.memref_slice %arg7[%dma_start3A_191, %dma_start3A_213, %dma_start3A_214, %dma_start3A_215, %dma_start3A_216] : memref<2x2x8x8x129xf32, #tpu.memory_space<vmem>> -> memref<1x2x8x8x129xf32, #tpu.memory_space<vmem>>
      %dma_start3A_218 = tpu.memref_squeeze %dma_start3A_217 : memref<1x2x8x8x129xf32, #tpu.memory_space<vmem>> -> memref<2x8x8x129xf32, #tpu.memory_space<vmem>>
      %dma_start3A_219 = arith.constant 0 : i32
      %dma_start3A_220 = arith.constant 0 : i32
      %dma_start3A_221 = arith.constant 0 : i32
      %dma_start3A_222 = arith.constant 0 : i32
      %dma_start3A_223 = tpu.memref_slice %dma_start3A_218[%dma_start3A_219, %dma_start3A_220, %dma_start3A_221, %dma_start3A_222] : memref<2x8x8x129xf32, #tpu.memory_space<vmem>> -> memref<2x8x8x128xf32, #tpu.memory_space<vmem>>
      tpu.enqueue_dma source(%dma_start3A_223 : memref<2x8x8x128xf32, #tpu.memory_space<vmem>>) target(%dma_start3A_212 : memref<2x8x8x128xf32, #tpu.memory_space<hbm>>) target_semaphore(%arg10 : memref<!tpu.dma_semaphore, #tpu.memory_space<semaphore_mem>>)
      %add3A_224 = arith.constant 2 : i32
      %add3A_225 = arith.addi %add3A_138, %add3A_224 : i32
      %lt3A = arith.constant 100 : i32
      %lt3A_226 = arith.cmpi slt, %add3A_225, %lt3A : i32
      %convert_element_type3A_227 = arith.extui %lt3A_226 : i1 to i32
      %cond3A_228 = arith.constant 0 : i32
      %cond3A_229 = arith.cmpi ne, %convert_element_type3A_227, %cond3A_228 : i32
      scf.if %cond3A_229 {
        %add3A_330 = arith.constant 2 : i32
        %add3A_331 = arith.addi %add3A_138, %add3A_330 : i32
        %mul3A_332 = arith.constant 2 : i32
        %mul3A_333 = arith.muli %mul3A_332, %add3A_331 : i32
        %multiple_of3A_334 = tpu.assume_multiple %mul3A_333, 2 : i32
        %dma_start3A_335 = arith.constant 0 : i32
        %dma_start3A_336 = arith.constant 0 : i32
        %dma_start3A_337 = arith.constant 0 : i32
        %dma_start3A_338 = tpu.memref_slice %arg6[%dma_start3A_335, %dma_start3A_336, %dma_start3A_337] : memref<2x256x64xf32, #tpu.memory_space<vmem>> -> memref<1x128x64xf32, #tpu.memory_space<vmem>>
        %dma_start3A_339 = tpu.memref_squeeze %dma_start3A_338 : memref<1x128x64xf32, #tpu.memory_space<vmem>> -> memref<128x64xf32, #tpu.memory_space<vmem>>
        %dma_start3A_340 = arith.constant 0 : i32
        %dma_start3A_341 = tpu.memref_slice %arg5[%multiple_of3A_334, %dma_start3A_340] : memref<200x128xi32, #tpu.memory_space<vmem>> -> memref<1x128xi32, #tpu.memory_space<vmem>>
        %dma_start3A_342 = tpu.memref_squeeze %dma_start3A_341 : memref<1x128xi32, #tpu.memory_space<vmem>> -> memref<128xi32, #tpu.memory_space<vmem>>
        %dma_start3A_343 = arith.constant 0 : i32
        %dma_start3A_344 = arith.constant 0 : i32
        %dma_start3A_345 = tpu.memref_slice %arg3[%dma_start3A_343, %dma_start3A_344] : memref<1000000x64xf32, #tpu.memory_space<hbm>> -> memref<1000000x64xf32, #tpu.memory_space<hbm>>
        tpu.enqueue_indirect_dma source(%dma_start3A_345 : memref<1000000x64xf32, #tpu.memory_space<hbm>>) target(%dma_start3A_339 : memref<128x64xf32, #tpu.memory_space<vmem>>) offsets(%dma_start3A_342 : memref<128xi32, #tpu.memory_space<vmem>>) semaphore(%arg8 : memref<!tpu.dma_semaphore, #tpu.memory_space<semaphore_mem>>)
        %add3A_346 = arith.constant 1 : i32
        %add3A_347 = arith.addi %multiple_of3A_334, %add3A_346 : i32
        %dma_start3A_348 = arith.constant 0 : i32
        %dma_start3A_349 = arith.constant 128 : i32
        %dma_start3A_350 = arith.constant 0 : i32
        %dma_start3A_351 = tpu.memref_slice %arg6[%dma_start3A_348, %dma_start3A_349, %dma_start3A_350] : memref<2x256x64xf32, #tpu.memory_space<vmem>> -> memref<1x128x64xf32, #tpu.memory_space<vmem>>
        %dma_start3A_352 = tpu.memref_squeeze %dma_start3A_351 : memref<1x128x64xf32, #tpu.memory_space<vmem>> -> memref<128x64xf32, #tpu.memory_space<vmem>>
        %dma_start3A_353 = arith.constant 0 : i32
        %dma_start3A_354 = tpu.memref_slice %arg5[%add3A_347, %dma_start3A_353] : memref<200x128xi32, #tpu.memory_space<vmem>> -> memref<1x128xi32, #tpu.memory_space<vmem>>
        %dma_start3A_355 = tpu.memref_squeeze %dma_start3A_354 : memref<1x128xi32, #tpu.memory_space<vmem>> -> memref<128xi32, #tpu.memory_space<vmem>>
        %dma_start3A_356 = arith.constant 0 : i32
        %dma_start3A_357 = arith.constant 0 : i32
        %dma_start3A_358 = tpu.memref_slice %arg3[%dma_start3A_356, %dma_start3A_357] : memref<1000000x64xf32, #tpu.memory_space<hbm>> -> memref<1000000x64xf32, #tpu.memory_space<hbm>>
        tpu.enqueue_indirect_dma source(%dma_start3A_358 : memref<1000000x64xf32, #tpu.memory_space<hbm>>) target(%dma_start3A_352 : memref<128x64xf32, #tpu.memory_space<vmem>>) offsets(%dma_start3A_355 : memref<128xi32, #tpu.memory_space<vmem>>) semaphore(%arg8 : memref<!tpu.dma_semaphore, #tpu.memory_space<semaphore_mem>>)
      } else {
      }
      %mul3A_230 = arith.constant 2 : i32
      %mul3A_231 = arith.muli %scan3A_134, %mul3A_230 : i32
      %add3A_232 = arith.constant 1 : i32
      %add3A_233 = arith.addi %mul3A_231, %add3A_232 : i32
      %mul3A_234 = arith.constant 2 : i32
      %mul3A_235 = arith.muli %mul3A_234, %add3A_233 : i32
      %multiple_of3A_236 = tpu.assume_multiple %mul3A_235, 2 : i32
      %dma_wait3A_237 = arith.constant 1 : i32
      %dma_wait3A_238 = arith.constant 0 : i32
      %dma_wait3A_239 = arith.constant 0 : i32
      %dma_wait3A_240 = tpu.memref_slice %arg6[%dma_wait3A_237, %dma_wait3A_238, %dma_wait3A_239] : memref<2x256x64xf32, #tpu.memory_space<vmem>> -> memref<1x256x64xf32, #tpu.memory_space<vmem>>
      %dma_wait3A_241 = tpu.memref_squeeze %dma_wait3A_240 : memref<1x256x64xf32, #tpu.memory_space<vmem>> -> memref<256x64xf32, #tpu.memory_space<vmem>>
      %dma_wait3A_242 = arith.constant 0 : i32
      %dma_wait3A_243 = arith.constant 0 : i32
      %dma_wait3A_244 = tpu.memref_slice %dma_wait3A_241[%dma_wait3A_242, %dma_wait3A_243] : memref<256x64xf32, #tpu.memory_space<vmem>> -> memref<128x64xf32, #tpu.memory_space<vmem>>
      %dma_wait3A_245 = arith.constant 0 : i32
      %dma_wait3A_246 = arith.constant 0 : i32
      %dma_wait3A_247 = tpu.memref_slice %arg3[%dma_wait3A_245, %dma_wait3A_246] : memref<1000000x64xf32, #tpu.memory_space<hbm>> -> memref<128x64xf32, #tpu.memory_space<hbm>>
      %dma_wait3A_248 = arith.constant 0 : i32
      %dma_wait3A_249 = arith.constant 0 : i32
      %dma_wait3A_250 = tpu.memref_slice %arg6[%dma_wait3A_237, %dma_wait3A_248, %dma_wait3A_249] : memref<2x256x64xf32, #tpu.memory_space<vmem>> -> memref<1x256x64xf32, #tpu.memory_space<vmem>>
      %dma_wait3A_251 = tpu.memref_squeeze %dma_wait3A_250 : memref<1x256x64xf32, #tpu.memory_space<vmem>> -> memref<256x64xf32, #tpu.memory_space<vmem>>
      %dma_wait3A_252 = arith.constant 0 : i32
      %dma_wait3A_253 = arith.constant 0 : i32
      %dma_wait3A_254 = tpu.memref_slice %dma_wait3A_251[%dma_wait3A_252, %dma_wait3A_253] : memref<256x64xf32, #tpu.memory_space<vmem>> -> memref<128x64xf32, #tpu.memory_space<vmem>>
      %dma_wait3A_255 = arith.constant 0 : i32
      %dma_wait3A_256 = arith.constant 0 : i32
      %dma_wait3A_257 = tpu.memref_slice %arg3[%dma_wait3A_255, %dma_wait3A_256] : memref<1000000x64xf32, #tpu.memory_space<hbm>> -> memref<128x64xf32, #tpu.memory_space<hbm>>
      tpu.wait_dma2 semaphore(%arg9 : memref<!tpu.dma_semaphore, #tpu.memory_space<semaphore_mem>>) src(%dma_wait3A_257 : memref<128x64xf32, #tpu.memory_space<hbm>>) dst(%dma_wait3A_254 : memref<128x64xf32, #tpu.memory_space<vmem>>)
      %dma_wait3A_258 = arith.constant 1 : i32
      %dma_wait3A_259 = arith.constant 0 : i32
      %dma_wait3A_260 = arith.constant 0 : i32
      %dma_wait3A_261 = tpu.memref_slice %arg6[%dma_wait3A_258, %dma_wait3A_259, %dma_wait3A_260] : memref<2x256x64xf32, #tpu.memory_space<vmem>> -> memref<1x256x64xf32, #tpu.memory_space<vmem>>
      %dma_wait3A_262 = tpu.memref_squeeze %dma_wait3A_261 : memref<1x256x64xf32, #tpu.memory_space<vmem>> -> memref<256x64xf32, #tpu.memory_space<vmem>>
      %dma_wait3A_263 = arith.constant 0 : i32
      %dma_wait3A_264 = arith.constant 0 : i32
      %dma_wait3A_265 = tpu.memref_slice %dma_wait3A_262[%dma_wait3A_263, %dma_wait3A_264] : memref<256x64xf32, #tpu.memory_space<vmem>> -> memref<128x64xf32, #tpu.memory_space<vmem>>
      %dma_wait3A_266 = arith.constant 0 : i32
      %dma_wait3A_267 = arith.constant 0 : i32
      %dma_wait3A_268 = tpu.memref_slice %arg3[%dma_wait3A_266, %dma_wait3A_267] : memref<1000000x64xf32, #tpu.memory_space<hbm>> -> memref<128x64xf32, #tpu.memory_space<hbm>>
      %dma_wait3A_269 = arith.constant 0 : i32
      %dma_wait3A_270 = arith.constant 0 : i32
      %dma_wait3A_271 = tpu.memref_slice %arg6[%dma_wait3A_258, %dma_wait3A_269, %dma_wait3A_270] : memref<2x256x64xf32, #tpu.memory_space<vmem>> -> memref<1x256x64xf32, #tpu.memory_space<vmem>>
      %dma_wait3A_272 = tpu.memref_squeeze %dma_wait3A_271 : memref<1x256x64xf32, #tpu.memory_space<vmem>> -> memref<256x64xf32, #tpu.memory_space<vmem>>
      %dma_wait3A_273 = arith.constant 0 : i32
      %dma_wait3A_274 = arith.constant 0 : i32
      %dma_wait3A_275 = tpu.memref_slice %dma_wait3A_272[%dma_wait3A_273, %dma_wait3A_274] : memref<256x64xf32, #tpu.memory_space<vmem>> -> memref<128x64xf32, #tpu.memory_space<vmem>>
      %dma_wait3A_276 = arith.constant 0 : i32
      %dma_wait3A_277 = arith.constant 0 : i32
      %dma_wait3A_278 = tpu.memref_slice %arg3[%dma_wait3A_276, %dma_wait3A_277] : memref<1000000x64xf32, #tpu.memory_space<hbm>> -> memref<128x64xf32, #tpu.memory_space<hbm>>
      tpu.wait_dma2 semaphore(%arg9 : memref<!tpu.dma_semaphore, #tpu.memory_space<semaphore_mem>>) src(%dma_wait3A_278 : memref<128x64xf32, #tpu.memory_space<hbm>>) dst(%dma_wait3A_275 : memref<128x64xf32, #tpu.memory_space<vmem>>)
      %ge3A_279 = arith.constant 2 : i32
      %ge3A_280 = arith.cmpi sge, %add3A_233, %ge3A_279 : i32
      %convert_element_type3A_281 = arith.extui %ge3A_280 : i1 to i32
      %cond3A_282 = arith.constant 1 : i32
      %cond3A_283 = arith.constant 0 : i32
      %cond3A_284 = arith.cmpi ne, %convert_element_type3A_281, %cond3A_283 : i32
      scf.if %cond3A_284 {
        %dma_wait3A_330 = arith.constant 0 : i32
        %dma_wait3A_331 = arith.constant 0 : i32
        %dma_wait3A_332 = arith.constant 0 : i32
        %dma_wait3A_333 = arith.constant 0 : i32
        %dma_wait3A_334 = arith.constant 0 : i32
        %dma_wait3A_335 = tpu.memref_slice %arg7[%cond3A_282, %dma_wait3A_331, %dma_wait3A_332, %dma_wait3A_333, %dma_wait3A_334] : memref<2x2x8x8x129xf32, #tpu.memory_space<vmem>> -> memref<1x2x8x8x129xf32, #tpu.memory_space<vmem>>
        %dma_wait3A_336 = tpu.memref_squeeze %dma_wait3A_335 : memref<1x2x8x8x129xf32, #tpu.memory_space<vmem>> -> memref<2x8x8x129xf32, #tpu.memory_space<vmem>>
        %dma_wait3A_337 = arith.constant 0 : i32
        %dma_wait3A_338 = arith.constant 0 : i32
        %dma_wait3A_339 = arith.constant 0 : i32
        %dma_wait3A_340 = arith.constant 0 : i32
        %dma_wait3A_341 = tpu.memref_slice %dma_wait3A_336[%dma_wait3A_337, %dma_wait3A_338, %dma_wait3A_339, %dma_wait3A_340] : memref<2x8x8x129xf32, #tpu.memory_space<vmem>> -> memref<2x8x8x128xf32, #tpu.memory_space<vmem>>
        %dma_wait3A_342 = arith.constant 0 : i32
        %dma_wait3A_343 = arith.constant 0 : i32
        %dma_wait3A_344 = arith.constant 0 : i32
        %dma_wait3A_345 = arith.constant 0 : i32
        %dma_wait3A_346 = tpu.memref_slice %arg4[%dma_wait3A_342, %dma_wait3A_343, %dma_wait3A_330, %dma_wait3A_344, %dma_wait3A_345] : memref<200x8x32x8x128xf32, #tpu.memory_space<hbm>> -> memref<2x8x1x8x128xf32, #tpu.memory_space<hbm>>
        %dma_wait3A_347 = tpu.memref_squeeze %dma_wait3A_346 : memref<2x8x1x8x128xf32, #tpu.memory_space<hbm>> -> memref<2x8x8x128xf32, #tpu.memory_space<hbm>>
        %dma_wait3A_348 = arith.constant 0 : i32
        %dma_wait3A_349 = arith.constant 0 : i32
        %dma_wait3A_350 = arith.constant 0 : i32
        %dma_wait3A_351 = arith.constant 0 : i32
        %dma_wait3A_352 = tpu.memref_slice %arg7[%cond3A_282, %dma_wait3A_348, %dma_wait3A_349, %dma_wait3A_350, %dma_wait3A_351] : memref<2x2x8x8x129xf32, #tpu.memory_space<vmem>> -> memref<1x2x8x8x129xf32, #tpu.memory_space<vmem>>
        %dma_wait3A_353 = tpu.memref_squeeze %dma_wait3A_352 : memref<1x2x8x8x129xf32, #tpu.memory_space<vmem>> -> memref<2x8x8x129xf32, #tpu.memory_space<vmem>>
        %dma_wait3A_354 = arith.constant 0 : i32
        %dma_wait3A_355 = arith.constant 0 : i32
        %dma_wait3A_356 = arith.constant 0 : i32
        %dma_wait3A_357 = arith.constant 0 : i32
        %dma_wait3A_358 = tpu.memref_slice %dma_wait3A_353[%dma_wait3A_354, %dma_wait3A_355, %dma_wait3A_356, %dma_wait3A_357] : memref<2x8x8x129xf32, #tpu.memory_space<vmem>> -> memref<2x8x8x128xf32, #tpu.memory_space<vmem>>
        %dma_wait3A_359 = arith.constant 0 : i32
        %dma_wait3A_360 = arith.constant 0 : i32
        %dma_wait3A_361 = arith.constant 0 : i32
        %dma_wait3A_362 = arith.constant 0 : i32
        %dma_wait3A_363 = tpu.memref_slice %arg4[%dma_wait3A_359, %dma_wait3A_360, %dma_wait3A_330, %dma_wait3A_361, %dma_wait3A_362] : memref<200x8x32x8x128xf32, #tpu.memory_space<hbm>> -> memref<2x8x1x8x128xf32, #tpu.memory_space<hbm>>
        %dma_wait3A_364 = tpu.memref_squeeze %dma_wait3A_363 : memref<2x8x1x8x128xf32, #tpu.memory_space<hbm>> -> memref<2x8x8x128xf32, #tpu.memory_space<hbm>>
        tpu.wait_dma2 semaphore(%arg11 : memref<!tpu.dma_semaphore, #tpu.memory_space<semaphore_mem>>) src(%dma_wait3A_364 : memref<2x8x8x128xf32, #tpu.memory_space<hbm>>) dst(%dma_wait3A_358 : memref<2x8x8x128xf32, #tpu.memory_space<vmem>>)
      } else {
      }
      %parallel_loop3A_285 = arith.constant 0 : i32
      %parallel_loop3A_286 = arith.constant 256 : i32
      %parallel_loop3A_287 = arith.constant 1 : i32
      %parallel_loop3A_288 = arith.constant 1 : i32
      %parallel_loop3A_289 = arith.constant 1 : i32
      scf.for %parallel_loop3A_330 = %parallel_loop3A_285 to %parallel_loop3A_286 step %parallel_loop3A_287  : i32 {
        %parallel_loop3A_331 = arith.constant 7 : i32
        %parallel_loop3A_332 = arith.shrui %parallel_loop3A_330, %parallel_loop3A_331 : i32
        %parallel_loop3A_333 = vector.broadcast %parallel_loop3A_332 : i32 to vector<16xi32>
        %parallel_loop3A_334 = arith.constant 127 : i32
        %parallel_loop3A_335 = arith.andi %parallel_loop3A_330, %parallel_loop3A_334 : i32
        %parallel_loop3A_336 = vector.broadcast %parallel_loop3A_335 : i32 to vector<16xi32>
        %parallel_loop3A_337 = arith.constant 0 : i32
        %parallel_loop3A_338 = arith.constant 0 : i32
        %parallel_loop3A_339 = tpu.memref_slice %arg6[%parallel_loop3A_288, %parallel_loop3A_337, %parallel_loop3A_338] : memref<2x256x64xf32, #tpu.memory_space<vmem>> -> memref<1x256x64xf32, #tpu.memory_space<vmem>>
        %parallel_loop3A_340 = tpu.memref_squeeze %parallel_loop3A_339 : memref<1x256x64xf32, #tpu.memory_space<vmem>> -> memref<256x64xf32, #tpu.memory_space<vmem>>
        %parallel_loop3A_341 = arith.index_cast %parallel_loop3A_330 : i32 to index
        %parallel_loop3A_342 = arith.constant 0 : index
        %parallel_loop3A_343 = tpu.vector_load %parallel_loop3A_340[%parallel_loop3A_341, %parallel_loop3A_342] {strides = array<i32>} : memref<256x64xf32, #tpu.memory_space<vmem>>, vector<16xf32>,
        %parallel_loop3A_344 = arith.constant 8.000000e+00 : f32
        %parallel_loop3A_345 = vector.broadcast %parallel_loop3A_344 : f32 to vector<16xf32>
        %parallel_loop3A_346 = arith.mulf %parallel_loop3A_343, %parallel_loop3A_345 : vector<16xf32>
        %parallel_loop3A_347 = arith.constant 0 : i32
        %parallel_loop3A_348 = arith.constant 0 : i32
        %parallel_loop3A_349 = tpu.memref_slice %arg6[%parallel_loop3A_288, %parallel_loop3A_347, %parallel_loop3A_348] : memref<2x256x64xf32, #tpu.memory_space<vmem>> -> memref<1x256x64xf32, #tpu.memory_space<vmem>>
        %parallel_loop3A_350 = tpu.memref_squeeze %parallel_loop3A_349 : memref<1x256x64xf32, #tpu.memory_space<vmem>> -> memref<256x64xf32, #tpu.memory_space<vmem>>
        %parallel_loop3A_351 = arith.index_cast %parallel_loop3A_330 : i32 to index
        %parallel_loop3A_352 = arith.constant 16 : index
        %parallel_loop3A_353 = tpu.vector_load %parallel_loop3A_350[%parallel_loop3A_351, %parallel_loop3A_352] {strides = array<i32>} : memref<256x64xf32, #tpu.memory_space<vmem>>, vector<16xf32>,
        %parallel_loop3A_354 = arith.constant 8.000000e+00 : f32
        %parallel_loop3A_355 = vector.broadcast %parallel_loop3A_354 : f32 to vector<16xf32>
        %parallel_loop3A_356 = arith.mulf %parallel_loop3A_353, %parallel_loop3A_355 : vector<16xf32>
        %parallel_loop3A_357 = arith.constant 0 : i32
        %parallel_loop3A_358 = arith.constant 0 : i32
        %parallel_loop3A_359 = tpu.memref_slice %arg6[%parallel_loop3A_288, %parallel_loop3A_357, %parallel_loop3A_358] : memref<2x256x64xf32, #tpu.memory_space<vmem>> -> memref<1x256x64xf32, #tpu.memory_space<vmem>>
        %parallel_loop3A_360 = tpu.memref_squeeze %parallel_loop3A_359 : memref<1x256x64xf32, #tpu.memory_space<vmem>> -> memref<256x64xf32, #tpu.memory_space<vmem>>
        %parallel_loop3A_361 = arith.index_cast %parallel_loop3A_330 : i32 to index
        %parallel_loop3A_362 = arith.constant 32 : index
        %parallel_loop3A_363 = tpu.vector_load %parallel_loop3A_360[%parallel_loop3A_361, %parallel_loop3A_362] {strides = array<i32>} : memref<256x64xf32, #tpu.memory_space<vmem>>, vector<16xf32>,
        %parallel_loop3A_364 = arith.constant 8.000000e+00 : f32
        %parallel_loop3A_365 = vector.broadcast %parallel_loop3A_364 : f32 to vector<16xf32>
        %parallel_loop3A_366 = arith.mulf %parallel_loop3A_363, %parallel_loop3A_365 : vector<16xf32>
        %parallel_loop3A_367 = arith.constant 0 : i32
        %parallel_loop3A_368 = arith.constant 0 : i32
        %parallel_loop3A_369 = tpu.memref_slice %arg6[%parallel_loop3A_288, %parallel_loop3A_367, %parallel_loop3A_368] : memref<2x256x64xf32, #tpu.memory_space<vmem>> -> memref<1x256x64xf32, #tpu.memory_space<vmem>>
        %parallel_loop3A_370 = tpu.memref_squeeze %parallel_loop3A_369 : memref<1x256x64xf32, #tpu.memory_space<vmem>> -> memref<256x64xf32, #tpu.memory_space<vmem>>
        %parallel_loop3A_371 = arith.index_cast %parallel_loop3A_330 : i32 to index
        %parallel_loop3A_372 = arith.constant 48 : index
        %parallel_loop3A_373 = tpu.vector_load %parallel_loop3A_370[%parallel_loop3A_371, %parallel_loop3A_372] {strides = array<i32>} : memref<256x64xf32, #tpu.memory_space<vmem>>, vector<16xf32>,
        %parallel_loop3A_374 = arith.constant 8.000000e+00 : f32
        %parallel_loop3A_375 = vector.broadcast %parallel_loop3A_374 : f32 to vector<16xf32>
        %parallel_loop3A_376 = arith.mulf %parallel_loop3A_373, %parallel_loop3A_375 : vector<16xf32>
        %parallel_loop3A_377 = arith.constant 0 : i32
        %parallel_loop3A_378 = arith.constant 0 : i32
        %parallel_loop3A_379 = arith.constant 0 : i32
        %parallel_loop3A_380 = arith.constant 0 : i32
        %parallel_loop3A_381 = tpu.memref_slice %arg7[%parallel_loop3A_289, %parallel_loop3A_377, %parallel_loop3A_378, %parallel_loop3A_379, %parallel_loop3A_380] : memref<2x2x8x8x129xf32, #tpu.memory_space<vmem>> -> memref<1x2x8x8x129xf32, #tpu.memory_space<vmem>>
        %parallel_loop3A_382 = tpu.memref_squeeze %parallel_loop3A_381 : memref<1x2x8x8x129xf32, #tpu.memory_space<vmem>> -> memref<2x8x8x129xf32, #tpu.memory_space<vmem>>
        tpu.vector_store_idx %parallel_loop3A_382[%parallel_loop3A_333, %add3A_58, %and3A_78, %parallel_loop3A_336], %parallel_loop3A_346 : memref<2x8x8x129xf32, #tpu.memory_space<vmem>>[vector<16xi32>, vector<16xi32>, vector<16xi32>, vector<16xi32>], vector<16xf32>,
        %parallel_loop3A_383 = arith.constant 0 : i32
        %parallel_loop3A_384 = arith.constant 0 : i32
        %parallel_loop3A_385 = arith.constant 0 : i32
        %parallel_loop3A_386 = arith.constant 0 : i32
        %parallel_loop3A_387 = tpu.memref_slice %arg7[%parallel_loop3A_289, %parallel_loop3A_383, %parallel_loop3A_384, %parallel_loop3A_385, %parallel_loop3A_386] : memref<2x2x8x8x129xf32, #tpu.memory_space<vmem>> -> memref<1x2x8x8x129xf32, #tpu.memory_space<vmem>>
        %parallel_loop3A_388 = tpu.memref_squeeze %parallel_loop3A_387 : memref<1x2x8x8x129xf32, #tpu.memory_space<vmem>> -> memref<2x8x8x129xf32, #tpu.memory_space<vmem>>
        tpu.vector_store_idx %parallel_loop3A_388[%parallel_loop3A_333, %add3A_64, %and3A_78, %parallel_loop3A_336], %parallel_loop3A_356 : memref<2x8x8x129xf32, #tpu.memory_space<vmem>>[vector<16xi32>, vector<16xi32>, vector<16xi32>, vector<16xi32>], vector<16xf32>,
        %parallel_loop3A_389 = arith.constant 0 : i32
        %parallel_loop3A_390 = arith.constant 0 : i32
        %parallel_loop3A_391 = arith.constant 0 : i32
        %parallel_loop3A_392 = arith.constant 0 : i32
        %parallel_loop3A_393 = tpu.memref_slice %arg7[%parallel_loop3A_289, %parallel_loop3A_389, %parallel_loop3A_390, %parallel_loop3A_391, %parallel_loop3A_392] : memref<2x2x8x8x129xf32, #tpu.memory_space<vmem>> -> memref<1x2x8x8x129xf32, #tpu.memory_space<vmem>>
        %parallel_loop3A_394 = tpu.memref_squeeze %parallel_loop3A_393 : memref<1x2x8x8x129xf32, #tpu.memory_space<vmem>> -> memref<2x8x8x129xf32, #tpu.memory_space<vmem>>
        tpu.vector_store_idx %parallel_loop3A_394[%parallel_loop3A_333, %add3A_70, %and3A_78, %parallel_loop3A_336], %parallel_loop3A_366 : memref<2x8x8x129xf32, #tpu.memory_space<vmem>>[vector<16xi32>, vector<16xi32>, vector<16xi32>, vector<16xi32>], vector<16xf32>,
        %parallel_loop3A_395 = arith.constant 0 : i32
        %parallel_loop3A_396 = arith.constant 0 : i32
        %parallel_loop3A_397 = arith.constant 0 : i32
        %parallel_loop3A_398 = arith.constant 0 : i32
        %parallel_loop3A_399 = tpu.memref_slice %arg7[%parallel_loop3A_289, %parallel_loop3A_395, %parallel_loop3A_396, %parallel_loop3A_397, %parallel_loop3A_398] : memref<2x2x8x8x129xf32, #tpu.memory_space<vmem>> -> memref<1x2x8x8x129xf32, #tpu.memory_space<vmem>>
        %parallel_loop3A_400 = tpu.memref_squeeze %parallel_loop3A_399 : memref<1x2x8x8x129xf32, #tpu.memory_space<vmem>> -> memref<2x8x8x129xf32, #tpu.memory_space<vmem>>
        tpu.vector_store_idx %parallel_loop3A_400[%parallel_loop3A_333, %add3A_76, %and3A_78, %parallel_loop3A_336], %parallel_loop3A_376 : memref<2x8x8x129xf32, #tpu.memory_space<vmem>>[vector<16xi32>, vector<16xi32>, vector<16xi32>, vector<16xi32>], vector<16xf32>,
      } {sc.loop_unroll_factor = 8 : i64, sc.parallel_access}
      %dma_start3A_290 = arith.constant 1 : i32
      %dma_start3A_291 = arith.constant 0 : i32
      %dma_start3A_292 = arith.constant 0 : i32
      %dma_start3A_293 = arith.constant 0 : i32
      %dma_start3A_294 = arith.constant 0 : i32
      %dma_start3A_295 = tpu.memref_slice %arg7[%dma_start3A_290, %dma_start3A_291, %dma_start3A_292, %dma_start3A_293, %dma_start3A_294] : memref<2x2x8x8x129xf32, #tpu.memory_space<vmem>> -> memref<1x2x8x8x129xf32, #tpu.memory_space<vmem>>
      %dma_start3A_296 = tpu.memref_squeeze %dma_start3A_295 : memref<1x2x8x8x129xf32, #tpu.memory_space<vmem>> -> memref<2x8x8x129xf32, #tpu.memory_space<vmem>>
      %dma_start3A_297 = arith.constant 0 : i32
      %dma_start3A_298 = arith.constant 0 : i32
      %dma_start3A_299 = arith.constant 0 : i32
      %dma_start3A_300 = arith.constant 0 : i32
      %dma_start3A_301 = tpu.memref_slice %dma_start3A_296[%dma_start3A_297, %dma_start3A_298, %dma_start3A_299, %dma_start3A_300] : memref<2x8x8x129xf32, #tpu.memory_space<vmem>> -> memref<2x8x8x128xf32, #tpu.memory_space<vmem>>
      %dma_start3A_302 = arith.constant 0 : i32
      %dma_start3A_303 = arith.constant 0 : i32
      %dma_start3A_304 = arith.constant 0 : i32
      %dma_start3A_305 = tpu.memref_slice %arg4[%multiple_of3A_236, %dma_start3A_302, %add3A, %dma_start3A_303, %dma_start3A_304] : memref<200x8x32x8x128xf32, #tpu.memory_space<hbm>> -> memref<2x8x1x8x128xf32, #tpu.memory_space<hbm>>
      %dma_start3A_306 = tpu.memref_squeeze %dma_start3A_305 : memref<2x8x1x8x128xf32, #tpu.memory_space<hbm>> -> memref<2x8x8x128xf32, #tpu.memory_space<hbm>>
      %dma_start3A_307 = arith.constant 0 : i32
      %dma_start3A_308 = arith.constant 0 : i32
      %dma_start3A_309 = arith.constant 0 : i32
      %dma_start3A_310 = tpu.memref_slice %arg4[%multiple_of3A_236, %dma_start3A_307, %add3A, %dma_start3A_308, %dma_start3A_309] : memref<200x8x32x8x128xf32, #tpu.memory_space<hbm>> -> memref<2x8x1x8x128xf32, #tpu.memory_space<hbm>>
      %dma_start3A_311 = tpu.memref_squeeze %dma_start3A_310 : memref<2x8x1x8x128xf32, #tpu.memory_space<hbm>> -> memref<2x8x8x128xf32, #tpu.memory_space<hbm>>
      %dma_start3A_312 = arith.constant 0 : i32
      %dma_start3A_313 = arith.constant 0 : i32
      %dma_start3A_314 = arith.constant 0 : i32
      %dma_start3A_315 = arith.constant 0 : i32
      %dma_start3A_316 = tpu.memref_slice %arg7[%dma_start3A_290, %dma_start3A_312, %dma_start3A_313, %dma_start3A_314, %dma_start3A_315] : memref<2x2x8x8x129xf32, #tpu.memory_space<vmem>> -> memref<1x2x8x8x129xf32, #tpu.memory_space<vmem>>
      %dma_start3A_317 = tpu.memref_squeeze %dma_start3A_316 : memref<1x2x8x8x129xf32, #tpu.memory_space<vmem>> -> memref<2x8x8x129xf32, #tpu.memory_space<vmem>>
      %dma_start3A_318 = arith.constant 0 : i32
      %dma_start3A_319 = arith.constant 0 : i32
      %dma_start3A_320 = arith.constant 0 : i32
      %dma_start3A_321 = arith.constant 0 : i32
      %dma_start3A_322 = tpu.memref_slice %dma_start3A_317[%dma_start3A_318, %dma_start3A_319, %dma_start3A_320, %dma_start3A_321] : memref<2x8x8x129xf32, #tpu.memory_space<vmem>> -> memref<2x8x8x128xf32, #tpu.memory_space<vmem>>
      tpu.enqueue_dma source(%dma_start3A_322 : memref<2x8x8x128xf32, #tpu.memory_space<vmem>>) target(%dma_start3A_311 : memref<2x8x8x128xf32, #tpu.memory_space<hbm>>) target_semaphore(%arg11 : memref<!tpu.dma_semaphore, #tpu.memory_space<semaphore_mem>>)
      %add3A_323 = arith.constant 2 : i32
      %add3A_324 = arith.addi %add3A_233, %add3A_323 : i32
      %lt3A_325 = arith.constant 100 : i32
      %lt3A_326 = arith.cmpi slt, %add3A_324, %lt3A_325 : i32
      %convert_element_type3A_327 = arith.extui %lt3A_326 : i1 to i32
      %cond3A_328 = arith.constant 0 : i32
      %cond3A_329 = arith.cmpi ne, %convert_element_type3A_327, %cond3A_328 : i32
      scf.if %cond3A_329 {
        %add3A_330 = arith.constant 2 : i32
        %add3A_331 = arith.addi %add3A_233, %add3A_330 : i32
        %mul3A_332 = arith.constant 2 : i32
        %mul3A_333 = arith.muli %mul3A_332, %add3A_331 : i32
        %multiple_of3A_334 = tpu.assume_multiple %mul3A_333, 2 : i32
        %dma_start3A_335 = arith.constant 1 : i32
        %dma_start3A_336 = arith.constant 0 : i32
        %dma_start3A_337 = arith.constant 0 : i32
        %dma_start3A_338 = tpu.memref_slice %arg6[%dma_start3A_335, %dma_start3A_336, %dma_start3A_337] : memref<2x256x64xf32, #tpu.memory_space<vmem>> -> memref<1x128x64xf32, #tpu.memory_space<vmem>>
        %dma_start3A_339 = tpu.memref_squeeze %dma_start3A_338 : memref<1x128x64xf32, #tpu.memory_space<vmem>> -> memref<128x64xf32, #tpu.memory_space<vmem>>
        %dma_start3A_340 = arith.constant 0 : i32
        %dma_start3A_341 = tpu.memref_slice %arg5[%multiple_of3A_334, %dma_start3A_340] : memref<200x128xi32, #tpu.memory_space<vmem>> -> memref<1x128xi32, #tpu.memory_space<vmem>>
        %dma_start3A_342 = tpu.memref_squeeze %dma_start3A_341 : memref<1x128xi32, #tpu.memory_space<vmem>> -> memref<128xi32, #tpu.memory_space<vmem>>
        %dma_start3A_343 = arith.constant 0 : i32
        %dma_start3A_344 = arith.constant 0 : i32
        %dma_start3A_345 = tpu.memref_slice %arg3[%dma_start3A_343, %dma_start3A_344] : memref<1000000x64xf32, #tpu.memory_space<hbm>> -> memref<1000000x64xf32, #tpu.memory_space<hbm>>
        tpu.enqueue_indirect_dma source(%dma_start3A_345 : memref<1000000x64xf32, #tpu.memory_space<hbm>>) target(%dma_start3A_339 : memref<128x64xf32, #tpu.memory_space<vmem>>) offsets(%dma_start3A_342 : memref<128xi32, #tpu.memory_space<vmem>>) semaphore(%arg9 : memref<!tpu.dma_semaphore, #tpu.memory_space<semaphore_mem>>)
        %add3A_346 = arith.constant 1 : i32
        %add3A_347 = arith.addi %multiple_of3A_334, %add3A_346 : i32
        %dma_start3A_348 = arith.constant 1 : i32
        %dma_start3A_349 = arith.constant 128 : i32
        %dma_start3A_350 = arith.constant 0 : i32
        %dma_start3A_351 = tpu.memref_slice %arg6[%dma_start3A_348, %dma_start3A_349, %dma_start3A_350] : memref<2x256x64xf32, #tpu.memory_space<vmem>> -> memref<1x128x64xf32, #tpu.memory_space<vmem>>
        %dma_start3A_352 = tpu.memref_squeeze %dma_start3A_351 : memref<1x128x64xf32, #tpu.memory_space<vmem>> -> memref<128x64xf32, #tpu.memory_space<vmem>>
        %dma_start3A_353 = arith.constant 0 : i32
        %dma_start3A_354 = tpu.memref_slice %arg5[%add3A_347, %dma_start3A_353] : memref<200x128xi32, #tpu.memory_space<vmem>> -> memref<1x128xi32, #tpu.memory_space<vmem>>
        %dma_start3A_355 = tpu.memref_squeeze %dma_start3A_354 : memref<1x128xi32, #tpu.memory_space<vmem>> -> memref<128xi32, #tpu.memory_space<vmem>>
        %dma_start3A_356 = arith.constant 0 : i32
        %dma_start3A_357 = arith.constant 0 : i32
        %dma_start3A_358 = tpu.memref_slice %arg3[%dma_start3A_356, %dma_start3A_357] : memref<1000000x64xf32, #tpu.memory_space<hbm>> -> memref<1000000x64xf32, #tpu.memory_space<hbm>>
        tpu.enqueue_indirect_dma source(%dma_start3A_358 : memref<1000000x64xf32, #tpu.memory_space<hbm>>) target(%dma_start3A_352 : memref<128x64xf32, #tpu.memory_space<vmem>>) offsets(%dma_start3A_355 : memref<128xi32, #tpu.memory_space<vmem>>) semaphore(%arg9 : memref<!tpu.dma_semaphore, #tpu.memory_space<semaphore_mem>>)
      } else {
      }
    }
    %scan3A_82 = arith.constant 50 : i32
    %dma_wait3A = arith.constant 0 : i32
    %dma_wait3A_83 = arith.constant 0 : i32
    %dma_wait3A_84 = arith.constant 0 : i32
    %dma_wait3A_85 = arith.constant 0 : i32
    %dma_wait3A_86 = arith.constant 0 : i32
    %dma_wait3A_87 = arith.constant 0 : i32
    %dma_wait3A_88 = tpu.memref_slice %arg7[%dma_wait3A_83, %dma_wait3A_84, %dma_wait3A_85, %dma_wait3A_86, %dma_wait3A_87] : memref<2x2x8x8x129xf32, #tpu.memory_space<vmem>> -> memref<1x2x8x8x128xf32, #tpu.memory_space<vmem>>
    %dma_wait3A_89 = tpu.memref_squeeze %dma_wait3A_88 : memref<1x2x8x8x128xf32, #tpu.memory_space<vmem>> -> memref<2x8x8x128xf32, #tpu.memory_space<vmem>>
    %dma_wait3A_90 = arith.constant 0 : i32
    %dma_wait3A_91 = arith.constant 0 : i32
    %dma_wait3A_92 = arith.constant 0 : i32
    %dma_wait3A_93 = arith.constant 0 : i32
    %dma_wait3A_94 = tpu.memref_slice %arg4[%dma_wait3A_90, %dma_wait3A_91, %dma_wait3A, %dma_wait3A_92, %dma_wait3A_93] : memref<200x8x32x8x128xf32, #tpu.memory_space<hbm>> -> memref<2x8x1x8x128xf32, #tpu.memory_space<hbm>>
    %dma_wait3A_95 = tpu.memref_squeeze %dma_wait3A_94 : memref<2x8x1x8x128xf32, #tpu.memory_space<hbm>> -> memref<2x8x8x128xf32, #tpu.memory_space<hbm>>
    %dma_wait3A_96 = arith.constant 0 : i32
    %dma_wait3A_97 = arith.constant 0 : i32
    %dma_wait3A_98 = arith.constant 0 : i32
    %dma_wait3A_99 = arith.constant 0 : i32
    %dma_wait3A_100 = tpu.memref_slice %arg7[%dma_wait3A_83, %dma_wait3A_96, %dma_wait3A_97, %dma_wait3A_98, %dma_wait3A_99] : memref<2x2x8x8x129xf32, #tpu.memory_space<vmem>> -> memref<1x2x8x8x128xf32, #tpu.memory_space<vmem>>
    %dma_wait3A_101 = tpu.memref_squeeze %dma_wait3A_100 : memref<1x2x8x8x128xf32, #tpu.memory_space<vmem>> -> memref<2x8x8x128xf32, #tpu.memory_space<vmem>>
    %dma_wait3A_102 = arith.constant 0 : i32
    %dma_wait3A_103 = arith.constant 0 : i32
    %dma_wait3A_104 = arith.constant 0 : i32
    %dma_wait3A_105 = arith.constant 0 : i32
    %dma_wait3A_106 = tpu.memref_slice %arg4[%dma_wait3A_102, %dma_wait3A_103, %dma_wait3A, %dma_wait3A_104, %dma_wait3A_105] : memref<200x8x32x8x128xf32, #tpu.memory_space<hbm>> -> memref<2x8x1x8x128xf32, #tpu.memory_space<hbm>>
    %dma_wait3A_107 = tpu.memref_squeeze %dma_wait3A_106 : memref<2x8x1x8x128xf32, #tpu.memory_space<hbm>> -> memref<2x8x8x128xf32, #tpu.memory_space<hbm>>
    tpu.wait_dma2 semaphore(%arg10 : memref<!tpu.dma_semaphore, #tpu.memory_space<semaphore_mem>>) src(%dma_wait3A_107 : memref<2x8x8x128xf32, #tpu.memory_space<hbm>>) dst(%dma_wait3A_101 : memref<2x8x8x128xf32, #tpu.memory_space<vmem>>)
    %dma_wait3A_108 = arith.constant 0 : i32
    %dma_wait3A_109 = arith.constant 1 : i32
    %dma_wait3A_110 = arith.constant 0 : i32
    %dma_wait3A_111 = arith.constant 0 : i32
    %dma_wait3A_112 = arith.constant 0 : i32
    %dma_wait3A_113 = arith.constant 0 : i32
    %dma_wait3A_114 = tpu.memref_slice %arg7[%dma_wait3A_109, %dma_wait3A_110, %dma_wait3A_111, %dma_wait3A_112, %dma_wait3A_113] : memref<2x2x8x8x129xf32, #tpu.memory_space<vmem>> -> memref<1x2x8x8x128xf32, #tpu.memory_space<vmem>>
    %dma_wait3A_115 = tpu.memref_squeeze %dma_wait3A_114 : memref<1x2x8x8x128xf32, #tpu.memory_space<vmem>> -> memref<2x8x8x128xf32, #tpu.memory_space<vmem>>
    %dma_wait3A_116 = arith.constant 0 : i32
    %dma_wait3A_117 = arith.constant 0 : i32
    %dma_wait3A_118 = arith.constant 0 : i32
    %dma_wait3A_119 = arith.constant 0 : i32
    %dma_wait3A_120 = tpu.memref_slice %arg4[%dma_wait3A_116, %dma_wait3A_117, %dma_wait3A_108, %dma_wait3A_118, %dma_wait3A_119] : memref<200x8x32x8x128xf32, #tpu.memory_space<hbm>> -> memref<2x8x1x8x128xf32, #tpu.memory_space<hbm>>
    %dma_wait3A_121 = tpu.memref_squeeze %dma_wait3A_120 : memref<2x8x1x8x128xf32, #tpu.memory_space<hbm>> -> memref<2x8x8x128xf32, #tpu.memory_space<hbm>>
    %dma_wait3A_122 = arith.constant 0 : i32
    %dma_wait3A_123 = arith.constant 0 : i32
    %dma_wait3A_124 = arith.constant 0 : i32
    %dma_wait3A_125 = arith.constant 0 : i32
    %dma_wait3A_126 = tpu.memref_slice %arg7[%dma_wait3A_109, %dma_wait3A_122, %dma_wait3A_123, %dma_wait3A_124, %dma_wait3A_125] : memref<2x2x8x8x129xf32, #tpu.memory_space<vmem>> -> memref<1x2x8x8x128xf32, #tpu.memory_space<vmem>>
    %dma_wait3A_127 = tpu.memref_squeeze %dma_wait3A_126 : memref<1x2x8x8x128xf32, #tpu.memory_space<vmem>> -> memref<2x8x8x128xf32, #tpu.memory_space<vmem>>
    %dma_wait3A_128 = arith.constant 0 : i32
    %dma_wait3A_129 = arith.constant 0 : i32
    %dma_wait3A_130 = arith.constant 0 : i32
    %dma_wait3A_131 = arith.constant 0 : i32
    %dma_wait3A_132 = tpu.memref_slice %arg4[%dma_wait3A_128, %dma_wait3A_129, %dma_wait3A_108, %dma_wait3A_130, %dma_wait3A_131] : memref<200x8x32x8x128xf32, #tpu.memory_space<hbm>> -> memref<2x8x1x8x128xf32, #tpu.memory_space<hbm>>
    %dma_wait3A_133 = tpu.memref_squeeze %dma_wait3A_132 : memref<2x8x1x8x128xf32, #tpu.memory_space<hbm>> -> memref<2x8x8x128xf32, #tpu.memory_space<hbm>>
    tpu.wait_dma2 semaphore(%arg11 : memref<!tpu.dma_semaphore, #tpu.memory_space<semaphore_mem>>) src(%dma_wait3A_133 : memref<2x8x8x128xf32, #tpu.memory_space<hbm>>) dst(%dma_wait3A_127 : memref<2x8x8x128xf32, #tpu.memory_space<vmem>>)
    return
  }
}

</mosaic_0001>

<sc_bundles>
// kernel: kernel.3.cloned.1.call-start
scs
__scs_entry_jumppad:
0x0: {  	(pc) =	sbr.rel $0x88, $3  }
0x1: {  	(tag) =	ssettag $0x0;
	lr =	simm.s32 $0x1  }
0x2: {  	[smem:$0x3F9F] =	sst lr;
	_ =	strace $0xD0000000  }
0x3: {  	_ = 	snop  }
0x4: {  	_ = 	snop  }
0x5: {  	_ = 	snop  }
0x6: {  	_ = 	snop  }
0x7: {  	_ = 	snop  }
__scs_overlays_trampoline_lowered:
0x8: {  	[smem:$0x3FAE] =	sst s0  }
0x9: {  	[smem:$0x3FAF] =	sst s1  }
0xa: {  	[smem:$0x3FB0] =	sst s2  }
0xb: {  	[smem:$0x3FB1] =	sst s3  }
0xc: {  	[smem:$0x3FB2] =	sst s4  }
0xd: {  	[smem:$0x3FB3] =	sst s5  }
0xe: {  	[smem:$0x3FB4] =	sst s6  }
0xf: {  	[smem:$0x3FB5] =	sst s7  }
0x10: {  	[smem:$0x3FB6] =	sst s8  }
0x11: {  	[smem:$0x3FB7] =	sst s9;
	s0 =	simm.s32 @!p0 $0x0  }
0x12: {  	s1 =	sld [smem:$0x3F9D];
	s0 =	simm.s32 @p0 $0x1  }
0x13: {  	[smem:$0x3FB8] =	sst s0;
	s0 =	simm.s32 @!p1 $0x0  }
0x14: {  	s2 =	sld [smem:$0x3F9C];
	s0 =	simm.s32 @p1 $0x1  }
0x15: {  	[smem:$0x3FB9] =	sst s0;
	s0 =	simm.s32 @!p2 $0x0  }
0x16: {  	s3 =	sld [smem:$0x3FDB];
	s0 =	simm.s32 @p2 $0x1  }
0x17: {  	s4 =	simm.s32 $0x1BF5;
	[smem:$0x3FBB] =	sst s0  }
0x18: {  	s0 =	sld [smem:$0x3F9E];
	_ =	swait.ge [sflag:s4], $0x0  }
0x19: {  	s7 =	sld [smem:$0x3F9F]  }
0x1a: {  	s8 =	sadd.s32 $0xFFFFE003, lr  }
0x1b: {  	s9 =	sadd.s32 $0xFFFFFEF7, lr;
	s5 =	simm.s32 $0xFFFFFFFF;
	p2 =	slt.u32 s8, $0xFFFFF086  }
0x1c: {  	p1 =	slt.u32 s9, $0xF7A;
	s5 =	simm.s32 @!p2 $0x0  }
0x1d: {  	s5 =	simm.s32 @p1 $0x1;
	p0 =	seq.s32 s7, s2  }
0x1e: {  	s7 =	smul.u32 @!p0 $0xF7A, s2;
	p2 =	seq.s32 @!p0 s5, $0x0  }
0x1f: {  	s9 =	smul.u32 $0xF7A, s1;
	s8 =	simm.s32 @!p0 $0x1BF5;
	p2 =	por !p2, p0  }
0x20: {  	[sflag:s8] =	ssyncset.s32 @!p0 $0xFFFFF086;
	s6 =	sadd.s32 @!p0 s3, s7;
	s7 =	simm.s32 @!p0 $0x108  }
0x21: {  	s3 =	sadd.s32 s3, s9;
	s6 =	sadd.s32 @!p0 $0x88, s6;
	s7 =	simm.s32 @p2 $0x1082  }
0x22: {  	[simem:s7], [sflag:s8] =	dma.local @!p0 [hbm:s6], $0xF7A  }
0x23: {  	s9 =	sor.u32 $0xD0000000, s2;
	s6 =	simm.s32 $0x108;
	_ =	swait.ge @!p0 [sflag:s8], $0x0  }
0x24: {  	s3 =	sadd.s32 $0x88, s3;
	s6 =	simm.s32 @!p1 $0x1082;
	[sflag:s4] =	ssyncset.s32 $0xFFFFF086  }
0x25: {  	[simem:s6], [sflag:s4] =	dma.local [hbm:s3], $0xF7A  }
0x26: {  	[smem:$0x3F9F] =	sst s1;
	(tag) =	ssettag s2;
	_ =	strace s9  }
0x27: {  	s1 =	sld [smem:$0x3FAF]  }
0x28: {  	s2 =	sld [smem:$0x3FB0]  }
0x29: {  	s4 =	sld [smem:$0x3FB2]  }
0x2a: {  	p0 =	seq.s32 s5, $0x0;
	s5 =	sld [smem:$0x3FB3]  }
0x2b: {  	s6 =	sld [smem:$0x3FB4]  }
0x2c: {  	s7 =	sld [smem:$0x3FB5]  }
0x2d: {  	s3 =	simm.s32 $0x108;
	s8 =	sld [smem:$0x3FB6]  }
0x2e: {  	s3 =	simm.s32 @!p0 $0x1082;
	s9 =	sld [smem:$0x3FB7]  }
0x2f: {  	lr =	sadd.s32 s0, s3;
	s0 =	sld [smem:$0x3FAE]  }
0x30: {  	s3 =	sld [smem:$0x3FB1]  }
0x31: {  	[smem:$0x3FBA] =	sst s10  }
0x32: {  	s10 =	sld [smem:$0x3FB8];
	_ =	sdelay $0x3  }
0x33: {  	p0 =	seq.s32 s10, $0x1;
	s10 =	sld [smem:$0x3FBA];
	_ =	sdelay $0x3  }
0x34: {  	[smem:$0x3FBA] =	sst s10  }
0x35: {  	s10 =	sld [smem:$0x3FB9];
	_ =	sdelay $0x3  }
0x36: {  	p1 =	seq.s32 s10, $0x1;
	s10 =	sld [smem:$0x3FBA];
	_ =	sdelay $0x3  }
0x37: {  	[smem:$0x3FBA] =	sst s10  }
0x38: {  	s10 =	sld [smem:$0x3FBB]  }
0x39: {  	_ = 	snop;
	(pc) =	sbr.ind lr, $3  }
0x3a: {  	_ = 	snop  }
0x3b: {  	_ = 	snop  }
0x3c: {  	p2 =	seq.s32 s10, $0x1;
	s10 =	sld [smem:$0x3FBA]  }
0x3d: {  	_ =	shalt  }
0x3e: {  	_ =	shalt  }
0x3f: {  	_ =	shalt  }
0x40: {  	_ =	shalt  }
0x41: {  	_ =	shalt  }
0x42: {  	_ =	shalt  }
0x43: {  	_ =	shalt  }
0x44: {  	_ =	shalt  }
0x45: {  	_ =	shalt  }
0x46: {  	_ =	shalt  }
0x47: {  	_ =	shalt  }
0x48: {  	_ =	shalt  }
0x49: {  	_ =	shalt  }
0x4a: {  	_ =	shalt  }
0x4b: {  	_ =	shalt  }
0x4c: {  	_ =	shalt  }
0x4d: {  	_ =	shalt  }
0x4e: {  	_ =	shalt  }
0x4f: {  	_ =	shalt  }
0x50: {  	_ =	shalt  }
0x51: {  	_ =	shalt  }
0x52: {  	_ =	shalt  }
0x53: {  	_ =	shalt  }
0x54: {  	_ =	shalt  }
0x55: {  	_ =	shalt  }
0x56: {  	_ =	shalt  }
0x57: {  	_ =	shalt  }
0x58: {  	_ =	shalt  }
0x59: {  	_ =	shalt  }
0x5a: {  	_ =	shalt  }
0x5b: {  	_ =	shalt  }
0x5c: {  	_ =	shalt  }
0x5d: {  	_ =	shalt  }
0x5e: {  	_ =	shalt  }
0x5f: {  	_ =	shalt  }
0x60: {  	_ =	shalt  }
0x61: {  	_ =	shalt  }
0x62: {  	_ =	shalt  }
0x63: {  	_ =	shalt  }
0x64: {  	_ =	shalt  }
0x65: {  	_ =	shalt  }
0x66: {  	_ =	shalt  }
0x67: {  	_ =	shalt  }
0x68: {  	_ =	shalt  }
0x69: {  	_ =	shalt  }
0x6a: {  	_ =	shalt  }
0x6b: {  	_ =	shalt  }
0x6c: {  	_ =	shalt  }
0x6d: {  	_ =	shalt  }
0x6e: {  	_ =	shalt  }
0x6f: {  	_ =	shalt  }
0x70: {  	_ =	shalt  }
0x71: {  	_ =	shalt  }
0x72: {  	_ =	shalt  }
0x73: {  	_ =	shalt  }
0x74: {  	_ =	shalt  }
0x75: {  	_ =	shalt  }
0x76: {  	_ =	shalt  }
0x77: {  	_ =	shalt  }
0x78: {  	_ =	shalt  }
0x79: {  	_ =	shalt  }
0x7a: {  	_ =	shalt  }
0x7b: {  	_ =	shalt  }
0x7c: {  	_ =	shalt  }
0x7d: {  	_ =	shalt  }
0x7e: {  	_ =	shalt  }
0x7f: {  	_ =	shalt  }
0x80: {  	_ =	shalt  }
0x81: {  	_ =	shalt  }
0x82: {  	_ =	shalt  }
0x83: {  	_ =	shalt  }
0x84: {  	_ =	shalt  }
0x85: {  	_ =	shalt  }
0x86: {  	_ =	shalt  }
0x87: {  	_ =	shalt  }
.Lfunc_end0:
.L_simem_size_0:
called_computation_lowered:
.L_overlay_start_0:
0x88: {  	s2 =	sld [smem:$0x3FD9]  }
0x89: {  	s3 =	sld [smem:$0x3FFE];
	_ =	sdelay $0x1  }
0x8a: {  	s1 =	srdreg.scid  }
0x8b: {  	s0 =	sand.u32 $0x1, s1  }
0x8c: {  	s17 =	sshll.u32 s0, $0xA;
	s2 =	sadd.s32 s3, s2  }
0x8d: {  	s2 =	sadd.s32 s2, s17  }
0x8e: {  	[smem:$0x3FC6] =	sst s2  }
0x8f: {  	_ = 	snop  }
0x90: {  	s2 =	sld [smem:$0x3FD0];
	(tm) =	ssettm $0x1  }
0x91: {  	s18 =	sld [smem:$0x3FFB];
	_ =	sdelay $0x3  }
0x92: {  	_ =	strace s18  }
0x93: {  	s3 =	sld [smem:$0x3FFC];
	_ =	sdelay $0x3  }
0x94: {  	_ =	strace s3  }
0x95: {  	s3 =	sld [smem:$0x3FFD];
	_ =	sdelay $0x3  }
0x96: {  	_ =	strace s3  }
0x97: {  	_ =	strace $0x8FFFFFFF  }
0x98: {  	s19 =	sld [smem:$0x3FDB];
	_ =	sdelay $0x1  }
0x99: {  	s4 =	simm.s32 $_scs_section_size  }
0x9a: {  	s5 =	simm.s32 $_size__tile_overlayer_lowered;
	s6 =	simm.s32 $_tile_overlayer_lowered  }
0x9b: {  	s22 =	simm.s32 $0x1BFF;
	s21 =	sshll.u32 s6, $0x1;
	s3 =	sadd.s32 s4, s19  }
0x9c: {  	s7 =	simm.s32 $0x0;
	s20 =	sshll.u32 s5, $0x1;
	s5 =	sadd.s32 s21, s3  }
0x9d: {  	[timem:s7], [sflag:s22] =	dma.local [hbm:s5], s20  }
0x9e: {  	_ =	swait.ge [sflag:s22], s20  }
0x9f: {  	s4 =	ssub.s32 $0x0, s20;
	[sflag:s22] =	ssyncset.done $0x0  }
0xa0: {  	[sflag:s22] =	ssyncadd.s32 s4;
	_ =	sdelay $0x1  }
0xa1: {  	s23 =	simm.s32 $0x1B8B  }
0xa2: {  	_ =	swait.ge [sflag:s23], $0x1  }
0xa3: {  	[sflag:s23] =	ssyncset.done $0x0  }
0xa4: {  	s25 =	simm.s32 $0x1B8E;
	s24 =	sld [smem:$0x3FFE];
	[sflag:s23] =	ssyncadd.s32 $0xFFFFFFFF  }
0xa5: {  	s26 =	simm.s32 $execute0_lowered;
	[smem:$0x3FD2] =	sst s25  }
0xa6: {  	s5 =	sshll.u32 s26, $0x1;
	_ =	strace $0x80000046;
	[dreg:$0x1] =	wrdreg $0xFFFFFFFF  }
0xa7: {  	s28 =	simm.s32 $_size_execute0_lowered;
	s3 =	sadd.s32 s3, s5;
	[dreg:$0x0] =	wrdreg $0x0  }
0xa8: {  	s5 =	sshll.u32 s28, $0x1;
	[dreg:$0x2] =	wrdreg s3  }
0xa9: {  	[dreg:$0x3] =	wrdreg s5  }
0xaa: {  	[dreg:$0x4] =	wrdreg $0xC0  }
0xab: {  	_ =	task [dreg:s7], $0x5FFFF  }
0xac: {  	[dreg:$0x1] =	wrdreg $0xFFFFFFFF  }
0xad: {  	[dreg:$0x0] =	wrdreg $0x60  }
0xae: {  	[dreg:$0x2] =	wrdreg s24  }
0xaf: {  	[dreg:$0x3] =	wrdreg s2  }
0xb0: {  	[dreg:$0x4] =	wrdreg $0x9  }
0xb1: {  	_ =	task.clear_ibuf [dreg:s7], $0x5FFFF;
	_ =	strace $0x90000046  }
0xb2: {  	s29 =	simm.s32 $0x9;
	_ =	strace $0x80000048  }
0xb3: {  	_ =	swait.ge [sflag:s29], $0x1  }
0xb4: {  	[sflag:s29] =	ssyncadd.s32 $0xFFFFFFFF  }
0xb5: {  	_ =	strace $0x90000048  }
0xb6: {  	_ =	sfence  }
0xb7: {  	s30 =	sld [smem:$0x0];
	_ =	sdelay $0x2  }
0xb8: {  	s31 =	sshll.u32 s1, $0xD;
	s1 =	sshrl.u32 s1, $0x2  }
0xb9: {  	s3 =	sand.u32 $0x4000, s31;
	s1 =	sadd.s32 s1, s30  }
0xba: {  	s0 =	sor.u32 s3, s0;
	s1 =	sshll.u32 s1, $0x11  }
0xbb: {  	s0 =	sor.u32 s1, s0  }
0xbc: {  	s0 =	sadd.s32 $0x8F2B, s0  }
0xbd: {  	[sflag:s0] =	ssyncadd.remote.s32 $0x1  }
0xbe: {  	_ =	sfence.sel $0xFFFF  }
0xbf: {  	[dreg:$0x0] =	wrdreg $0xFFFFFFFF;
	(pc) =	sbr.abs _section_cstart, $3  }
0xc0: {  	[dreg:$0x1] =	wrdreg $0xFFFFFFFF  }
0xc1: {  	_ =	task.clear_ibuf [dreg:s7], $0x2FFFF;
	_ =	strace $0x9FFFFFFF  }
0xc2: {  	(tm) =	ssettm $0x7FFFFFFF  }
0xc3: {  	_ =	shalt  }
tec
execute0_lowered:
.L_overlay_start_1:
0x0: {  	(tag) =	ssettag $0x1  }
0x1: {  	s0 =	rddreg [dreg:$0x0]  }
0x2: {  	s2 =	rddreg [dreg:$0x1]  }
0x3: {  	s1 =	srdreg.scid;
	s4 =	stileid.u32  }
0x4: {  	s3 =	simm.s32 $0x0;
	s9 =	simm.s32 $0x80;
	s11 =	simm.s32 $0x5  }
0x5: {  	s14 =	simm.s32 $0x100;
	s15 =	simm.s32 $0xA400;
	s16 =	simm.s32 $0x180  }
0x6: {  	s17 =	simm.s32 $0xC400;
	s18 =	simm.s32 $0x1;
	s19 =	simm.s32 $0xE400  }
0x7: {  	s20 =	simm.s32 $0x2;
	s21 =	simm.s32 $0x12800;
	s22 =	simm.s32 $0x3  }
0x8: {  	s23 =	simm.s32 $0x4;
	s24 =	simm.s32 $0x0;
	s1 =	sand.u32 $0x1, s1  }
.Ltmp0:
0x9: {  	s4 =	sshll.u32 s4, $0x1;
	[smem:$0x7FF] =	sst s3;
	(pc) =	sbr.rel .LBB2_1-.Ltmp0, $4  }
0xa: {  	v0 =	vlaneseq.u32;
	s7 =	sadd.s32 $0x10000, s2;
	s6 =	sor.u32 s1, s4;
	s1 =	ssub.s32 $0x2, s1  }
0xb: {  	v1 =	vimm.s32 $0x0;
	vm0 =	vcmask $0x300;
	v0 =	vmul.u32 $0x88, v0;
	_ =	strace $0x80000047;
	s4 =	sshll.u32 s6, $0x4;
	s31 =	sshrl.u32 s1, $0x1  }
0xc: {  	v1 =	vsel vm0, $0x3, v1;
	s5 =	sadd.s32 s4, s0;
	s4 =	sadd.s32 $0xF42A00, s0;
	s0 =	ssub.s32 s1, s31  }
0xd: {  	s6 =	sshll.u32 s6, $0x7;
	v2 =	vadd.s32 $0x880, v0;
	v3 =	vadd.s32 $0x1100, v0;
	v4 =	vadd.s32 $0x1980, v0;
	s5 =	sadd.s32 $0x600, s5;
	s8 =	smax.u32 s0, $0x1  }
.LBB2_12:
0xe: {  	s24 =	sadd.s32 $0x1, s24  }
0xf: {  	_ =	swait.ge [sflag:s22], $0x4000;
	p0 =	sne.s32 s24, s8  }
.Ltmp1:
0x10: {  	[sflag:s22] =	ssyncset.done $0x0;
	(pc) =	sbr.rel @!p0 .LBB2_13-.Ltmp1, $4  }
0x11: {  	[sflag:s22] =	ssyncadd.s32 $0xFFFFC000  }
0x12: {  	_ =	swait.ge [sflag:s23], $0x4000  }
0x13: {  	[sflag:s23] =	ssyncset.done $0x0  }
0x14: {  	[sflag:s23] =	ssyncadd.s32 $0xFFFFC000  }
.LBB2_1:
0x15: {  	s0 =	simm.s32 $0x1000  }
0x16: {  	[tilespmem:s3], [sflag:$0x5] =	stream.strided.gather [hbm4b:s5+s9], $0x6400, s0, s9, $0x38;
	[tilespmem:$0x16C00] =	vst v63  }
0x17: {  	_ =	swait.ge [sflag:s11], $0x6400  }
0x18: {  	[sflag:s11] =	ssyncset.done $0x0  }
0x19: {  	s30 =	simm.s32 $0x6400;
	[sflag:s11] =	ssyncadd.s32 $0xFFFF9C00  }
0x1a: {  	[tilespmem:s30], [sflag:$0x1] =	stream.indirect.gather [hbm4b:s4+s9], $0x40, s3, s9, $0xb8;
	[tilespmem:$0x16C00] =	vst v63  }
0x1b: {  	s31 =	simm.s32 $0x8400  }
0x1c: {  	[tilespmem:s31], [sflag:$0x1] =	stream.indirect.gather [hbm4b:s4+s9], $0x40, s9, s9, $0xb8;
	[tilespmem:$0x16C00] =	vst v63  }
0x1d: {  	_ = 	snop  }
0x1e: {  	[tilespmem:s15], [sflag:$0x2] =	stream.indirect.gather [hbm4b:s4+s9], $0x40, s14, s9, $0xb8;
	[tilespmem:$0x16C00] =	vst v63  }
0x1f: {  	s25 =	simm.s32 $0x0  }
0x20: {  	[tilespmem:s17], [sflag:$0x2] =	stream.indirect.gather [hbm4b:s4+s9], $0x40, s16, s9, $0xb8;
	[tilespmem:$0x16C00] =	vst v63  }
.LBB2_2:
0x21: {  	_ =	swait.ge [sflag:s18], $0x2000  }
0x22: {  	[sflag:s18] =	ssyncset.done $0x0  }
0x23: {  	[sflag:s18] =	ssyncadd.s32 $0xFFFFE000  }
0x24: {  	_ =	swait.ge [sflag:s18], $0x2000  }
0x25: {  	p0 =	seq.s32 s25, $0x0;
	[sflag:s18] =	ssyncset.done $0x0  }
0x26: {  	s0 =	simm.s32 @!p0 $0x3;
	[sflag:s18] =	ssyncadd.s32 $0xFFFFE000  }
0x27: {  	s29 =	simm.s32 $0x6500;
	s28 =	simm.s32 $0x0;
	_ =	swait.ge @!p0 [sflag:s0], $0x4000  }
0x28: {  	s1 =	simm.s32 $0x0;
	s31 =	simm.s32 $0x5;
	[sflag:s0] =	ssyncset.done @!p0 $0x0  }
0x29: {  	s26 =	sand.u32 $0x78, s28;
	v6 =	vmov s1;
	s12 =	sand.u32 $0x78, s31;
	[sflag:s0] =	ssyncadd.s32 @!p0 $0xFFFFC000  }
0x2a: {  	v7 =	vmov s26;
	v6 =	vmul.u32 $0x2200, v6;
	v12 =	vmov s12;
	v5 =	vld [tilespmem:s29+$0xFFFFFFE0]  }
0x2b: {  	v7 =	vshrl.u32 v7, $0x3;
	v12 =	vshrl.u32 v12, $0x3;
	v9 =	vld [tilespmem:s29+$0xFFFFFFC0]  }
0x2c: {  	s13 =	simm.s32 $0x1;
	v11 =	vshll.u32 v7, v1;
	v6 =	vbroadcast v6, $0x0;
	v12 =	vshll.u32 v12, v1;
	v10 =	vld [tilespmem:s29+$0xFFFFFF80]  }
0x2d: {  	s26 =	simm.s32 $0x7;
	v29 =	vbroadcast v12, $0x0;
	v11 =	vbroadcast v11, $0x0;
	s0 =	sand.u32 $0x78, s13;
	v32 =	vld [tilespmem:s29+$0x20]  }
0x2e: {  	s30 =	sand.u32 $0x78, s26;
	v16 =	vadd.s32 v0, v6;
	v17 =	vadd.s32 v2, v6;
	v8 =	vmov s0;
	v34 =	vld [tilespmem:s29+$0x30]  }
0x2f: {  	v19 =	vadd.s32 v3, v6;
	s13 =	simm.s32 $0x3;
	v40 =	vld [tilespmem:s29+$0xFFFFFFD0];
	v7 =	vshrl.u32 v8, $0x3;
	v8 =	vmov s30  }
0x30: {  	v24 =	vadd.s32 v4, v6;
	v30 =	vadd.s32 v16, v29;
	s1 =	sand.u32 $0x78, s13;
	v41 =	vld [tilespmem:s29+$0x0];
	s30 =	simm.s32 $0x4;
	v8 =	vshrl.u32 v8, $0x3  }
0x31: {  	s31 =	simm.s32 $0x2;
	v51 =	vld [tilespmem:s29+$0xC0];
	v15 =	vmov s1;
	v7 =	vshll.u32 v7, v1;
	s0 =	sand.u32 $0x78, s30;
	v8 =	vshll.u32 v8, v1  }
0x32: {  	s10 =	simm.s32 $0x6;
	v21 =	vbroadcast v7, $0x0;
	v7 =	vmov s0;
	s0 =	sand.u32 $0x78, s31;
	v8 =	vbroadcast v8, $0x0  }
0x33: {  	s26 =	sand.u32 $0x78, s10;
	v57 =	vld [tilespmem:s29+$0xD0];
	v39 =	vmov s0;
	v14 =	vmul.f32 $8.000000000e+00, v5;
	v20 =	vmul.f32 $8.000000000e+00, v9  }
0x34: {  	v13 =	vld [tilespmem:s29+$0x60];
	v5 =	vmov s26;
	v25 =	vmul.f32 $8.000000000e+00, v10;
	v32 =	vmul.f32 $8.000000000e+00, v32  }
0x35: {  	v26 =	vadd.s32 v17, v21;
	v46 =	vmul.f32 $8.000000000e+00, v34;
	v40 =	vmul.f32 $8.000000000e+00, v40  }
0x36: {  	v39 =	vshrl.u32 v39, $0x3;
	v41 =	vmul.f32 $8.000000000e+00, v41;
	v51 =	vmul.f32 $8.000000000e+00, v51  }
0x37: {  	v10 =	vld [tilespmem:s29+$0xFFFFFFF0];
	v9 =	vshrl.u32 v5, $0x3;
	v5 =	vadd.s32 v16, v8;
	v18 =	vadd.s32 v17, v8  }
0x38: {  	v39 =	vshll.u32 v39, v1;
	v55 =	vor.u32 $0x1, v26;
	v26 =	vmul.f32 $8.000000000e+00, v57  }
0x39: {  	v27 =	vor.u32 $0x7, v5;
	v5 =	vmul.f32 $8.000000000e+00, v13;
	v9 =	vshll.u32 v9, v1  }
0x3a: {  	v13 =	vshrl.u32 v7, $0x3;
	v7 =	vadd.s32 v16, v21;
	v39 =	vbroadcast v39, $0x0  }
0x3b: {  	v28 =	vbroadcast v9, $0x0;
	v9 =	vld [tilespmem:s29+$0xFFFFFF40];
	v23 =	vor.u32 $0x1, v7;
	v13 =	vshll.u32 v13, v1  }
0x3c: {  	v37 =	vld [tilespmem:s29+$0xFFFFFF50];
	v42 =	vbroadcast v13, $0x0;
	v62 =	vadd.s32 v17, v39;
	v6 =	vmul.f32 $8.000000000e+00, v10  }
0x3d: {  	v43 =	vld [tilespmem:s29+$0xB0];
	v10 =	vshrl.u32 v15, $0x3;
	v22 =	vadd.s32 v16, v28;
	v7 =	vadd.s32 v17, v28  }
0x3e: {  	v15 =	vld [tilespmem:s29+$0x80];
	v12 =	vadd.s32 v19, v28;
	v10 =	vshll.u32 v10, v1;
	v31 =	vor.u32 $0x6, v7  }
0x3f: {  	v45 =	vld [tilespmem:s29+$0xA0];
	v7 =	vadd.s32 v24, v8;
	v12 =	vor.u32 $0x6, v12;
	v22 =	vor.u32 $0x6, v22  }
0x40: {  	v60 =	vadd.s32 v16, v42;
	v35 =	vbroadcast v10, $0x0;
	v33 =	vmul.f32 $8.000000000e+00, v9;
	v9 =	vld [tilespmem:s29+$0x10]  }
0x41: {  	v49 =	vld [tilespmem:s29+$0xFFFFFF60];
	v8 =	vadd.s32 v19, v8;
	v47 =	vadd.s32 v17, v42;
	v34 =	vor.u32 $0x4, v60  }
0x42: {  	v52 =	vld [tilespmem:s29+$0xFFFFFF90];
	v48 =	vadd.s32 v19, v42;
	v47 =	vor.u32 $0x4, v47;
	v36 =	vadd.s32 v16, v35  }
0x43: {  	v50 =	vld [tilespmem:s29+$0x90];
	v42 =	vadd.s32 v24, v42;
	v15 =	vmul.f32 $8.000000000e+00, v15;
	v36 =	vor.u32 $0x3, v36  }
0x44: {  	v13 =	vld [tilespmem:s29+$0xFFFFFF70];
	v7 =	vor.u32 $0x7, v7;
	v48 =	vor.u32 $0x4, v48;
	[tilespmem:v23+s19+$0x0] =	vst.idx.msk $0xffff, v33;
	v23 =	vadd.s32 v16, v39  }
0x45: {  	v58 =	vld [tilespmem:s29+$0xFFFFFFB0];
	v10 =	vadd.s32 v17, v29;
	v53 =	vor.u32 $0x2, v23;
	[tilespmem:v22+s19+$0x0] =	vst.idx.msk $0xffff, v15;
	v44 =	vmul.f32 $8.000000000e+00, v9  }
0x46: {  	v61 =	vor.u32 $0x4, v42;
	v42 =	vor.u32 $0x2, v62;
	v23 =	vadd.s32 v17, v35;
	[tilespmem:v34+s19+$0x0] =	vst.idx.msk $0xffff, v41  }
0x47: {  	v60 =	vmul.f32 $8.000000000e+00, v52;
	v38 =	vadd.s32 v19, v35;
	v63 =	vor.u32 $0x3, v23;
	[tilespmem:v47+s19+$0x0] =	vst.idx.msk $0xffff, v44  }
0x48: {  	v62 =	vmul.f32 $8.000000000e+00, v37;
	v17 =	vadd.s32 v11, v17;
	v15 =	vadd.s32 v19, v39;
	[tilespmem:v36+s19+$0x0] =	vst.idx.msk $0xffff, v20  }
0x49: {  	v54 =	vld [tilespmem:s29+$0xFFFFFFA0];
	v38 =	vor.u32 $0x3, v38;
	v39 =	vadd.s32 v24, v39;
	v23 =	vadd.s32 v11, v16;
	[tilespmem:v48+s19+$0x0] =	vst.idx.msk $0xffff, v32  }
0x4a: {  	v59 =	vld [tilespmem:s29+$0xE0];
	v33 =	vmul.f32 $8.000000000e+00, v58;
	v16 =	vadd.s32 v24, v21;
	v9 =	vadd.s32 v11, v24;
	[tilespmem:v53+s19+$0x0] =	vst.idx.msk $0xffff, v25  }
0x4b: {  	v22 =	vor.u32 $0x2, v15;
	v15 =	vor.u32 $0x7, v18;
	v18 =	vadd.s32 v11, v19;
	v25 =	vld [tilespmem:s29+$0x40];
	[tilespmem:v61+s19+$0x0] =	vst.idx.msk $0xffff, v46  }
0x4c: {  	v11 =	vadd.s32 v19, v21;
	v21 =	vor.u32 $0x1, v16;
	v19 =	vadd.s32 v19, v29;
	v61 =	vld [tilespmem:s29+$0x70];
	[tilespmem:v63+s19+$0x0] =	vst.idx.msk $0xffff, v40  }
0x4d: {  	v34 =	vor.u32 $0x1, v11;
	v11 =	vadd.s32 v24, v35;
	v20 =	vor.u32 $0x2, v39;
	v63 =	vld [tilespmem:s29+$0xF0];
	[tilespmem:v42+s19+$0x0] =	vst.idx.msk $0xffff, v60  }
0x4e: {  	v37 =	vld [tilespmem:s29+$0xFFFFFF30];
	v36 =	vmul.f32 $8.000000000e+00, v54;
	v16 =	vor.u32 $0x3, v11;
	v32 =	vmul.f32 $8.000000000e+00, v49;
	[tilespmem:v27+s19+$0x0] =	vst.idx.msk $0xffff, v51  }
0x4f: {  	v35 =	vld [tilespmem:s29+$0x50];
	v42 =	vmul.f32 $8.000000000e+00, v45;
	v27 =	vmul.f32 $8.000000000e+00, v59;
	[tilespmem:v38+s19+$0x0] =	vst.idx.msk $0xffff, v14;
	v38 =	vor.u32 $0x5, v30  }
0x50: {  	v40 =	vld [tilespmem:s29+$0xFFFFFF20];
	v14 =	vadd.s32 v24, v28;
	v30 =	vmul.f32 $8.000000000e+00, v50;
	v24 =	vadd.s32 v24, v29  }
0x51: {  	[tilespmem:v55+s19+$0x0] =	vst.idx.msk $0xffff, v62;
	v11 =	vld [tilespmem:s29+$0xFFFFFF10];
	v29 =	vmul.f32 $8.000000000e+00, v43;
	v39 =	vor.u32 $0x6, v14;
	v41 =	vmul.f32 $8.000000000e+00, v25  }
0x52: {  	s26 =	sshll.u32 s25, $0xB;
	v8 =	vor.u32 $0x7, v8;
	[tilespmem:v31+s19+$0x0] =	vst.idx.msk $0xffff, v30;
	v25 =	vld [tilespmem:s29+$0xFFFFFF00];
	s29 =	simm.s32 $0x6700;
	v28 =	vmul.f32 $8.000000000e+00, v61;
	v31 =	vmul.f32 $8.000000000e+00, v63  }
.LBB2_3:
0x53: {  	s0 =	sadd.s32 $0x9, s28  }
0x54: {  	v14 =	vld [tilespmem:s29+$0xFFFFFF50];
	s1 =	sadd.s32 $0xC, s28;
	v30 =	vmul.f32 $8.000000000e+00, v37;
	v37 =	vmul.f32 $8.000000000e+00, v35;
	v43 =	vor.u32 $0x5, v24;
	[tilespmem:v12+s19+$0x0] =	vst.idx.msk $0xffff, v42;
	s10 =	smov.u32 s28;
	s28 =	sadd.s32 $0x8, s28  }
0x55: {  	v13 =	vmul.f32 $8.000000000e+00, v13;
	s30 =	sshrl.u32 s28, $0x7;
	s31 =	sand.u32 $0x78, s28;
	s0 =	sand.u32 $0x78, s0;
	v12 =	vld [tilespmem:s29+$0xFFFFFFE0];
	v24 =	vmul.f32 $8.000000000e+00, v40;
	[tilespmem:v38+s19+$0x0] =	vst.idx.msk $0xffff, v41;
	v38 =	vor.u32 $0x5, v19  }
0x56: {  	s12 =	sadd.s32 $0xE, s10;
	v19 =	vmov s30;
	v35 =	vmov s31;
	v40 =	vmov s0;
	s0 =	sadd.s32 $0xD, s10;
	s30 =	sadd.s32 $0xF, s10;
	[tilespmem:v39+s19+$0x0] =	vst.idx.msk $0xffff, v29  }
0x57: {  	s31 =	sand.u32 $0x78, s1;
	v29 =	vshrl.u32 v35, $0x3;
	v19 =	vmul.u32 $0x2200, v19;
	v35 =	vld [tilespmem:s29+$0x30];
	s0 =	sand.u32 $0x78, s0;
	s1 =	sand.u32 $0x78, s30;
	v25 =	vmul.f32 $8.000000000e+00, v25;
	[tilespmem:v22+s19+$0x0] =	vst.idx.msk $0xffff, v36  }
0x58: {  	s12 =	sand.u32 $0x78, s12;
	s30 =	sadd.s32 $0xA, s10;
	s10 =	sadd.s32 $0xB, s10;
	v22 =	vshll.u32 v29, v1;
	v29 =	vshrl.u32 v40, $0x3;
	v36 =	vld [tilespmem:s29+$0xFFFFFFC0];
	v39 =	vmov s1;
	[tilespmem:v34+s19+$0x0] =	vst.idx.msk $0xffff, v32  }
0x59: {  	p1 =	slt.u32 s28, $0xF8;
	s1 =	sand.u32 $0x78, s10;
	v40 =	vbroadcast v19, $0x0;
	v32 =	vld [tilespmem:s29+$0xFFFFFF80];
	v34 =	vshrl.u32 v39, $0x3;
	v39 =	vmul.f32 $8.000000000e+00, v11;
	[tilespmem:v23+s19+$0x0] =	vst.idx.msk $0xffff, v25  }
0x5a: {  	v11 =	vld [tilespmem:s29+$0xFFFFFF10];
	v19 =	vmul.f32 $8.000000000e+00, v12;
	v12 =	vmov s12;
	v25 =	vshll.u32 v34, v1;
	[tilespmem:v20+s19+$0x0] =	vst.idx.msk $0xffff, v33  }
0x5b: {  	v10 =	vor.u32 $0x5, v10;
	v20 =	vmov s0;
	v23 =	vadd.s32 v0, v40;
	v41 =	vld [tilespmem:s29+$0x60];
	[tilespmem:v17+s19+$0x0] =	vst.idx.msk $0xffff, v39  }
0x5c: {  	v17 =	vmov s1;
	v20 =	vshrl.u32 v20, $0x3;
	v39 =	vbroadcast v25, $0x0;
	[tilespmem:v18+s19+$0x0] =	vst.idx.msk $0xffff, v24  }
0x5d: {  	v12 =	vshrl.u32 v12, $0x3;
	v18 =	vadd.s32 v2, v40;
	v34 =	vmul.f32 $8.000000000e+00, v36;
	[tilespmem:v21+s19+$0x0] =	vst.idx.msk $0xffff, v13  }
0x5e: {  	v13 =	vshll.u32 v29, v1;
	v25 =	vadd.s32 v23, v39;
	v33 =	vmul.f32 $8.000000000e+00, v32;
	v21 =	vld [tilespmem:s29+$0xFFFFFFF0];
	[tilespmem:v15+s19+$0x0] =	vst.idx.msk $0xffff, v26  }
0x5f: {  	v24 =	vadd.s32 v3, v40;
	v15 =	vshll.u32 v20, v1;
	v25 =	vor.u32 $0x7, v25;
	[tilespmem:v8+s19+$0x0] =	vst.idx.msk $0xffff, v27  }
0x60: {  	v12 =	vshll.u32 v12, v1;
	v20 =	vadd.s32 v18, v39;
	v8 =	vmul.f32 $8.000000000e+00, v41;
	[tilespmem:v10+s19+$0x0] =	vst.idx.msk $0xffff, v37  }
0x61: {  	v26 =	vbroadcast v13, $0x0;
	v32 =	vbroadcast v12, $0x0;
	v10 =	vmov s31;
	[tilespmem:v9+s19+$0x0] =	vst.idx.msk $0xffff, v30  }
0x62: {  	v27 =	vadd.s32 v4, v40;
	v29 =	vbroadcast v15, $0x0;
	v36 =	vshrl.u32 v10, $0x3;
	v9 =	vld [tilespmem:s29+$0xFFFFFF40];
	[tilespmem:v38+s19+$0x0] =	vst.idx.msk $0xffff, v5;
	v5 =	vmovc v8  }
0x63: {  	v37 =	vadd.s32 v18, v26;
	v8 =	vadd.s32 v23, v26;
	v10 =	vmul.f32 $8.000000000e+00, v21;
	v30 =	vld [tilespmem:s29+$0xB0];
	[tilespmem:v43+s19+$0x0] =	vst.idx.msk $0xffff, v28  }
0x64: {  	v12 =	vshrl.u32 v17, $0x3;
	v17 =	vadd.s32 v23, v32;
	v28 =	vadd.s32 v23, v29;
	v15 =	vld [tilespmem:s29+$0x80];
	[tilespmem:v7+s19+$0x0] =	vst.idx.msk $0xffff, v31  }
0x65: {  	v21 =	vor.u32 $0x1, v8;
	v8 =	vadd.s32 v24, v32;
	v7 =	vadd.s32 v18, v32;
	v38 =	vld [tilespmem:s29+$0x20];
	[tilespmem:v16+s19+$0x0] =	vst.idx.msk $0xffff, v6  }
0x66: {  	v16 =	vshll.u32 v12, v1;
	v31 =	vor.u32 $0x6, v7;
	v7 =	vadd.s32 v27, v39;
	v6 =	vmovc v10;
	v42 =	vld [tilespmem:s29+$0xA0]  }
0x67: {  	v12 =	vor.u32 $0x6, v8;
	v7 =	vor.u32 $0x7, v7;
	v9 =	vmul.f32 $8.000000000e+00, v9;
	v40 =	vld [tilespmem:s29+$0x10]  }
0x68: {  	v17 =	vor.u32 $0x6, v17;
	v8 =	vadd.s32 v24, v39;
	v16 =	vbroadcast v16, $0x0;
	v13 =	vld [tilespmem:s29+$0xFFFFFF70]  }
0x69: {  	v10 =	vadd.s32 v18, v29;
	v8 =	vor.u32 $0x7, v8;
	v39 =	vld [tilespmem:s29+$0xFFFFFF60];
	v15 =	vmul.f32 $8.000000000e+00, v15  }
0x6a: {  	s0 =	sand.u32 $0x78, s30;
	v41 =	vadd.s32 v24, v16;
	[tilespmem:v21+s19+$0x0] =	vst.idx.msk $0xffff, v9;
	v21 =	vadd.s32 v23, v16;
	v38 =	vmul.f32 $8.000000000e+00, v38;
	v43 =	vld [tilespmem:s29+$0x90]  }
0x6b: {  	v44 =	vbroadcast v22, $0x0;
	v36 =	vshll.u32 v36, v1;
	v9 =	vmov s0;
	v22 =	vld [tilespmem:s29+$0xFFFFFFD0]  }
0x6c: {  	v36 =	vbroadcast v36, $0x0;
	v45 =	vshrl.u32 v9, $0x3;
	v46 =	vld [tilespmem:s29+$0x0];
	v40 =	vmul.f32 $8.000000000e+00, v40  }
0x6d: {  	v47 =	vmul.f32 $8.000000000e+00, v35;
	v9 =	vadd.s32 v44, v27;
	v45 =	vshll.u32 v45, v1;
	[tilespmem:v17+s19+$0x0] =	vst.idx.msk $0xffff, v15  }
0x6e: {  	v35 =	vadd.s32 v24, v36;
	v15 =	vadd.s32 v23, v36;
	v17 =	vadd.s32 v18, v36  }
0x6f: {  	v49 =	vor.u32 $0x4, v35;
	v15 =	vor.u32 $0x4, v15;
	v48 =	vor.u32 $0x4, v17  }
0x70: {  	v17 =	vbroadcast v45, $0x0;
	v45 =	vmul.f32 $8.000000000e+00, v22;
	v22 =	vadd.s32 v27, v36  }
0x71: {  	v21 =	vor.u32 $0x3, v21;
	v36 =	vmul.f32 $8.000000000e+00, v46;
	v46 =	vor.u32 $0x4, v22;
	v35 =	vld [tilespmem:s29+$0x50]  }
0x72: {  	v50 =	vadd.s32 v18, v17;
	v51 =	vadd.s32 v24, v17;
	v22 =	vadd.s32 v23, v17;
	v52 =	vld [tilespmem:s29+$0xC0]  }
0x73: {  	v50 =	vor.u32 $0x2, v50;
	v54 =	vor.u32 $0x2, v22;
	v22 =	vor.u32 $0x2, v51;
	v53 =	vld [tilespmem:s29+$0xFFFFFF90]  }
0x74: {  	v56 =	vadd.s32 v18, v16;
	v55 =	vadd.s32 v27, v17;
	v51 =	vld [tilespmem:s29+$0xFFFFFFA0];
	[tilespmem:v15+s19+$0x0] =	vst.idx.msk $0xffff, v36;
	v15 =	vor.u32 $0x7, v20  }
0x75: {  	v17 =	vadd.s32 v44, v18;
	v20 =	vor.u32 $0x2, v55;
	v55 =	vor.u32 $0x3, v56;
	[tilespmem:v48+s19+$0x0] =	vst.idx.msk $0xffff, v40;
	v40 =	vld [tilespmem:s29+$0xD0]  }
0x76: {  	v41 =	vor.u32 $0x3, v41;
	v23 =	vadd.s32 v44, v23;
	v18 =	vadd.s32 v44, v24;
	v44 =	vld [tilespmem:s29+$0xFFFFFFB0];
	[tilespmem:v21+s19+$0x0] =	vst.idx.msk $0xffff, v34  }
0x77: {  	v48 =	vor.u32 $0x1, v37;
	v21 =	vadd.s32 v24, v26;
	v26 =	vadd.s32 v27, v26;
	[tilespmem:v49+s19+$0x0] =	vst.idx.msk $0xffff, v38;
	v49 =	vld [tilespmem:s29+$0xE0]  }
0x78: {  	v34 =	vor.u32 $0x1, v21;
	v21 =	vor.u32 $0x1, v26;
	v53 =	vmul.f32 $8.000000000e+00, v53;
	[tilespmem:v54+s19+$0x0] =	vst.idx.msk $0xffff, v33;
	v54 =	vld [tilespmem:s29+$0x40]  }
0x79: {  	v16 =	vadd.s32 v27, v16;
	v36 =	vmul.f32 $8.000000000e+00, v51;
	[tilespmem:v46+s19+$0x0] =	vst.idx.msk $0xffff, v47;
	v46 =	vld [tilespmem:s29+$0x70];
	v47 =	vmul.f32 $8.000000000e+00, v52  }
0x7a: {  	v14 =	vmul.f32 $8.000000000e+00, v14;
	v16 =	vor.u32 $0x3, v16;
	[tilespmem:v55+s19+$0x0] =	vst.idx.msk $0xffff, v45;
	v26 =	vmul.f32 $8.000000000e+00, v40;
	v45 =	vld [tilespmem:s29+$0xF0]  }
.Ltmp2:
0x7b: {  	v38 =	vor.u32 $0x5, v28;
	v37 =	vld [tilespmem:s29+$0xFFFFFF30];
	v33 =	vmul.f32 $8.000000000e+00, v44;
	[tilespmem:v41+s19+$0x0] =	vst.idx.msk $0xffff, v19;
	v19 =	vadd.s32 v27, v32;
	(pc) =	sbr.rel @p1 .LBB2_3-.Ltmp2, $4  }
0x7c: {  	v43 =	vmul.f32 $8.000000000e+00, v43;
	v32 =	vmul.f32 $8.000000000e+00, v39;
	v40 =	vld [tilespmem:s29+$0xFFFFFF20];
	[tilespmem:v50+s19+$0x0] =	vst.idx.msk $0xffff, v53;
	v39 =	vor.u32 $0x6, v19  }
0x7d: {  	v42 =	vmul.f32 $8.000000000e+00, v42;
	v19 =	vadd.s32 v24, v29;
	v41 =	vmul.f32 $8.000000000e+00, v54;
	[tilespmem:v25+s19+$0x0] =	vst.idx.msk $0xffff, v47  }
0x7e: {  	v24 =	vadd.s32 v27, v29;
	v27 =	vmul.f32 $8.000000000e+00, v49;
	v25 =	vld [tilespmem:s29+$0xFFFFFF00];
	v28 =	vmul.f32 $8.000000000e+00, v46;
	[tilespmem:v31+s19+$0x0] =	vst.idx.msk $0xffff, v43  }
0x7f: {  	v29 =	vmul.f32 $8.000000000e+00, v30;
	s29 =	sadd.s32 $0x200, s29;
	[tilespmem:v48+s19+$0x0] =	vst.idx.msk $0xffff, v14;
	v31 =	vmul.f32 $8.000000000e+00, v45  }
0x80: {  	_ =	sdelay $0x3  }
0x81: {  	[tilespmem:v12+s19+$0x0] =	vst.idx.msk $0xffff, v42  }
0x82: {  	[tilespmem:v38+s19+$0x0] =	vst.idx.msk $0xffff, v41  }
0x83: {  	[tilespmem:v22+s19+$0x0] =	vst.idx.msk $0xffff, v36  }
0x84: {  	[tilespmem:v34+s19+$0x0] =	vst.idx.msk $0xffff, v32  }
0x85: {  	[tilespmem:v15+s19+$0x0] =	vst.idx.msk $0xffff, v26  }
0x86: {  	[tilespmem:v16+s19+$0x0] =	vst.idx.msk $0xffff, v6  }
0x87: {  	[tilespmem:v39+s19+$0x0] =	vst.idx.msk $0xffff, v29  }
0x88: {  	v13 =	vmul.f32 $8.000000000e+00, v13;
	v10 =	vor.u32 $0x5, v10;
	[tilespmem:v20+s19+$0x0] =	vst.idx.msk $0xffff, v33  }
0x89: {  	[tilespmem:v8+s19+$0x0] =	vst.idx.msk $0xffff, v27  }
0x8a: {  	v61 =	vor.u32 $0x5, v19;
	[tilespmem:v21+s19+$0x0] =	vst.idx.msk $0xffff, v13;
	v59 =	vmul.f32 $8.000000000e+00, v25  }
0x8b: {  	v62 =	vmul.f32 $8.000000000e+00, v35;
	[tilespmem:v7+s19+$0x0] =	vst.idx.msk $0xffff, v31  }
0x8c: {  	v11 =	vmul.f32 $8.000000000e+00, v11;
	v63 =	vor.u32 $0x5, v24;
	[tilespmem:v23+s19+$0x0] =	vst.idx.msk $0xffff, v59  }
0x8d: {  	[tilespmem:v10+s19+$0x0] =	vst.idx.msk $0xffff, v62  }
0x8e: {  	v60 =	vmul.f32 $8.000000000e+00, v40;
	[tilespmem:v17+s19+$0x0] =	vst.idx.msk $0xffff, v11  }
0x8f: {  	[tilespmem:v61+s19+$0x0] =	vst.idx.msk $0xffff, v5  }
0x90: {  	v14 =	vmul.f32 $8.000000000e+00, v37;
	s0 =	sshll.u32 s25, $0x11;
	[tilespmem:v18+s19+$0x0] =	vst.idx.msk $0xffff, v60  }
0x91: {  	s28 =	sor.u32 s6, s0;
	[tilespmem:v63+s19+$0x0] =	vst.idx.msk $0xffff, v28  }
0x92: {  	s12 =	simm.s32 $0xE400;
	s10 =	sadd.s32 s2, s28;
	[tilespmem:v9+s19+$0x0] =	vst.idx.msk $0xffff, v14  }
0x93: {  	[hbm4b:s10+s3] =	stream.linear.scatter [tilespmem:s12], [sflag:$0x3], $0x80, $0x38;
	[tilespmem:$0x16C00] =	vst v63  }
0x94: {  	s13 =	simm.s32 $0xE488;
	s1 =	sadd.s32 $0x10, s10  }
0x95: {  	[hbm4b:s1+s3] =	stream.linear.scatter [tilespmem:s13], [sflag:$0x3], $0x80, $0x38;
	[tilespmem:$0x16C00] =	vst v63  }
0x96: {  	s29 =	simm.s32 $0x440;
	s12 =	simm.s32 $0xE510;
	s13 =	sadd.s32 $0x20, s10  }
0x97: {  	[hbm4b:s13+s3] =	stream.linear.scatter [tilespmem:s12], [sflag:$0x3], $0x80, $0x38;
	[tilespmem:$0x16C00] =	vst v63  }
0x98: {  	s31 =	simm.s32 $0xE7B8;
	s12 =	simm.s32 $0xE598;
	s13 =	sadd.s32 $0x30, s10  }
0x99: {  	[hbm4b:s13+s3] =	stream.linear.scatter [tilespmem:s12], [sflag:$0x3], $0x80, $0x38;
	[tilespmem:$0x16C00] =	vst v63  }
0x9a: {  	s0 =	simm.s32 $0x2200;
	s12 =	simm.s32 $0xE620;
	s13 =	sadd.s32 $0x40, s10  }
0x9b: {  	[hbm4b:s13+s3] =	stream.linear.scatter [tilespmem:s12], [sflag:$0x3], $0x80, $0x38;
	[tilespmem:$0x16C00] =	vst v63  }
0x9c: {  	s30 =	sadd.s32 $0x1000, s10;
	s12 =	simm.s32 $0xE6A8;
	s13 =	sadd.s32 $0x50, s10  }
0x9d: {  	[hbm4b:s13+s3] =	stream.linear.scatter [tilespmem:s12], [sflag:$0x3], $0x80, $0x38;
	[tilespmem:$0x16C00] =	vst v63  }
0x9e: {  	s1 =	sadd.s32 $0x70, s10;
	s12 =	simm.s32 $0xE730;
	s13 =	sadd.s32 $0x60, s10  }
0x9f: {  	[hbm4b:s13+s3] =	stream.linear.scatter [tilespmem:s12], [sflag:$0x3], $0x80, $0x38;
	[tilespmem:$0x16C00] =	vst v63  }
.LBB2_5:
0xa0: {  	[hbm4b:s1+s3] =	stream.linear.scatter [tilespmem:s31], [sflag:$0x3], $0x80, $0x38;
	[tilespmem:$0x16C00] =	vst v63  }
0xa1: {  	s1 =	smov.u32 s29;
	s10 =	smov.u32 s0  }
0xa2: {  	s29 =	sshra.s32 s10, $0x2;
	s10 =	sadd.s32 $0x1100, s0;
	s12 =	sadd.s32 $0xE400, s1  }
0xa3: {  	[hbm4b:s30+s3] =	stream.linear.scatter [tilespmem:s12], [sflag:$0x3], $0x80, $0x38;
	[tilespmem:$0x16C00] =	vst v63  }
0xa4: {  	p1 =	sne.s32 s0, $0xFF00;
	s0 =	sadd.s32 $0xE488, s1;
	s12 =	sadd.s32 $0x10, s30  }
0xa5: {  	[hbm4b:s12+s3] =	stream.linear.scatter [tilespmem:s0], [sflag:$0x3], $0x80, $0x38;
	[tilespmem:$0x16C00] =	vst v63  }
0xa6: {  	s0 =	sadd.s32 $0xE510, s1;
	s12 =	sadd.s32 $0x20, s30  }
0xa7: {  	[hbm4b:s12+s3] =	stream.linear.scatter [tilespmem:s0], [sflag:$0x3], $0x80, $0x38;
	[tilespmem:$0x16C00] =	vst v63  }
0xa8: {  	s0 =	sadd.s32 $0xE598, s1;
	s12 =	sadd.s32 $0x30, s30  }
0xa9: {  	[hbm4b:s12+s3] =	stream.linear.scatter [tilespmem:s0], [sflag:$0x3], $0x80, $0x38;
	[tilespmem:$0x16C00] =	vst v63  }
0xaa: {  	s0 =	sadd.s32 $0xE620, s1;
	s12 =	sadd.s32 $0x40, s30  }
0xab: {  	[hbm4b:s12+s3] =	stream.linear.scatter [tilespmem:s0], [sflag:$0x3], $0x80, $0x38;
	[tilespmem:$0x16C00] =	vst v63  }
.Ltmp3:
0xac: {  	s0 =	sadd.s32 $0xE6A8, s1;
	s12 =	sadd.s32 $0x50, s30;
	(pc) =	sbr.rel @p1 .LBB2_5-.Ltmp3, $4  }
0xad: {  	[hbm4b:s12+s3] =	stream.linear.scatter [tilespmem:s0], [sflag:$0x3], $0x80, $0x38;
	[tilespmem:$0x16C00] =	vst v63  }
0xae: {  	s31 =	sadd.s32 $0xE7B8, s1;
	s0 =	sadd.s32 $0xE730, s1;
	s12 =	sadd.s32 $0x60, s30  }
0xaf: {  	[hbm4b:s12+s3] =	stream.linear.scatter [tilespmem:s0], [sflag:$0x3], $0x80, $0x38;
	[tilespmem:$0x16C00] =	vst v63  }
0xb0: {  	s1 =	sadd.s32 $0x70, s30;
	s30 =	sadd.s32 $0x1000, s30;
	s0 =	smov.u32 s10  }
0xb1: {  	[hbm4b:s1+s3] =	stream.linear.scatter [tilespmem:s31], [sflag:$0x3], $0x80, $0x38;
	[tilespmem:$0x16C00] =	vst v63  }
0xb2: {  	s0 =	sadd.s32 $0xE400, s29  }
0xb3: {  	[hbm4b:s30+s3] =	stream.linear.scatter [tilespmem:s0], [sflag:$0x3], $0x80, $0x38;
	[tilespmem:$0x16C00] =	vst v63  }
0xb4: {  	s13 =	sadd.s32 $0xE488, s29;
	s31 =	sadd.s32 $0x10, s30  }
0xb5: {  	[hbm4b:s31+s3] =	stream.linear.scatter [tilespmem:s13], [sflag:$0x3], $0x80, $0x38;
	[tilespmem:$0x16C00] =	vst v63  }
0xb6: {  	s10 =	sadd.s32 $0xE510, s29;
	s12 =	sadd.s32 $0x20, s30  }
0xb7: {  	[hbm4b:s12+s3] =	stream.linear.scatter [tilespmem:s10], [sflag:$0x3], $0x80, $0x38;
	[tilespmem:$0x16C00] =	vst v63  }
0xb8: {  	s13 =	sadd.s32 $0xE598, s29;
	s31 =	sadd.s32 $0x30, s30  }
0xb9: {  	[hbm4b:s31+s3] =	stream.linear.scatter [tilespmem:s13], [sflag:$0x3], $0x80, $0x38;
	[tilespmem:$0x16C00] =	vst v63  }
0xba: {  	s10 =	sadd.s32 $0xE620, s29;
	s12 =	sadd.s32 $0x40, s30  }
0xbb: {  	[hbm4b:s12+s3] =	stream.linear.scatter [tilespmem:s10], [sflag:$0x3], $0x80, $0x38;
	[tilespmem:$0x16C00] =	vst v63  }
0xbc: {  	s13 =	sadd.s32 $0xE6A8, s29;
	s31 =	sadd.s32 $0x50, s30  }
0xbd: {  	[hbm4b:s31+s3] =	stream.linear.scatter [tilespmem:s13], [sflag:$0x3], $0x80, $0x38;
	[tilespmem:$0x16C00] =	vst v63  }
0xbe: {  	p1 =	seq.s32 s25, $0x31;
	s10 =	sadd.s32 $0xE730, s29;
	s12 =	sadd.s32 $0x60, s30  }
0xbf: {  	[hbm4b:s12+s3] =	stream.linear.scatter [tilespmem:s10], [sflag:$0x3], $0x80, $0x38;
	[tilespmem:$0x16C00] =	vst v63  }
0xc0: {  	s0 =	sshrl.u32 @!p1 s26, $0x2;
	s13 =	sadd.s32 $0xE7B8, s29;
	s31 =	sadd.s32 $0x70, s30  }
0xc1: {  	[hbm4b:s31+s3] =	stream.linear.scatter [tilespmem:s13], [sflag:$0x3], $0x80, $0x38;
	[tilespmem:$0x16C00] =	vst v63  }
0xc2: {  	s1 =	sadd.s32 @!p1 $0x200, s0;
	s10 =	simm.s32 @!p1 $0x80;
	s12 =	simm.s32 @!p1 $0x6400  }
0xc3: {  	[tilespmem:s12], [sflag:$0x1] =	stream.indirect.gather @!p1 [hbm4b:s4+s10], $0x40, s1, s10, $0xb8;
	[tilespmem:$0x16C00] =	vst v63  }
0xc4: {  	s0 =	sadd.s32 @!p1 $0x280, s0;
	s1 =	simm.s32 @!p1 $0x8400  }
0xc5: {  	[tilespmem:s1], [sflag:$0x1] =	stream.indirect.gather @!p1 [hbm4b:s4+s10], $0x40, s0, s10, $0xb8;
	[tilespmem:$0x16C00] =	vst v63  }
0xc6: {  	_ =	swait.ge [sflag:s20], $0x2000  }
0xc7: {  	[sflag:s20] =	ssyncset.done $0x0  }
0xc8: {  	[sflag:s20] =	ssyncadd.s32 $0xFFFFE000  }
0xc9: {  	_ =	swait.ge [sflag:s20], $0x2000  }
0xca: {  	[sflag:s20] =	ssyncset.done $0x0  }
0xcb: {  	s12 =	simm.s32 $0x0;
	s0 =	simm.s32 @!p0 $0x4;
	[sflag:s20] =	ssyncadd.s32 $0xFFFFE000  }
0xcc: {  	s29 =	simm.s32 $0x0;
	v6 =	vmov s12;
	_ =	swait.ge @!p0 [sflag:s0], $0x4000  }
0xcd: {  	s13 =	sand.u32 $0x78, s29;
	v6 =	vmul.u32 $0x2200, v6;
	[sflag:s0] =	ssyncset.done @!p0 $0x0  }
0xce: {  	s30 =	simm.s32 $0xA5F0;
	v7 =	vmov s13;
	[sflag:s0] =	ssyncadd.s32 @!p0 $0xFFFFC000  }
0xcf: {  	v7 =	vshrl.u32 v7, $0x3;
	v6 =	vbroadcast v6, $0x0;
	v5 =	vld [tilespmem:s30+$0xFFFFFEF0]  }
0xd0: {  	v11 =	vshll.u32 v7, v1;
	s10 =	simm.s32 $0x1;
	v9 =	vld [tilespmem:s30+$0xFFFFFED0]  }
0xd1: {  	s31 =	simm.s32 $0x7;
	s12 =	simm.s32 $0x5;
	v11 =	vbroadcast v11, $0x0;
	v16 =	vadd.s32 v0, v6;
	s0 =	sand.u32 $0x78, s10;
	v10 =	vld [tilespmem:s30+$0xFFFFFE90]  }
0xd2: {  	v17 =	vadd.s32 v2, v6;
	v19 =	vadd.s32 v3, v6;
	s10 =	sand.u32 $0x78, s31;
	s31 =	sand.u32 $0x78, s12;
	s12 =	simm.s32 $0x3;
	v8 =	vmov s0;
	v32 =	vld [tilespmem:s30+$0xFFFFFF30]  }
0xd3: {  	s13 =	simm.s32 $0x6;
	v29 =	vadd.s32 v4, v6;
	s1 =	sand.u32 $0x78, s12;
	v12 =	vmov s31;
	v34 =	vld [tilespmem:s30+$0xFFFFFF40];
	v7 =	vshrl.u32 v8, $0x3  }
0xd4: {  	v40 =	vld [tilespmem:s30+$0xFFFFFEE0];
	v8 =	vmov s10;
	s10 =	sand.u32 $0x78, s13;
	v15 =	vmov s1;
	v12 =	vshrl.u32 v12, $0x3;
	s13 =	simm.s32 $0x4  }
0xd5: {  	s31 =	simm.s32 $0x2;
	v41 =	vld [tilespmem:s30+$0xFFFFFF10];
	v8 =	vshrl.u32 v8, $0x3;
	v7 =	vshll.u32 v7, v1;
	v12 =	vshll.u32 v12, v1;
	s0 =	sand.u32 $0x78, s13  }
0xd6: {  	v51 =	vld [tilespmem:s30+$0xFFFFFFD0];
	v8 =	vshll.u32 v8, v1;
	v21 =	vbroadcast v7, $0x0;
	v7 =	vmov s0;
	s0 =	sand.u32 $0x78, s31  }
0xd7: {  	v30 =	vbroadcast v12, $0x0;
	v8 =	vbroadcast v8, $0x0;
	v39 =	vmov s0  }
0xd8: {  	v57 =	vld [tilespmem:s30+$0xFFFFFFE0];
	v14 =	vmul.f32 $8.000000000e+00, v5;
	v5 =	vmov s10;
	v20 =	vmul.f32 $8.000000000e+00, v9  }
0xd9: {  	v13 =	vld [tilespmem:s30+$0xFFFFFF70];
	v24 =	vmul.f32 $8.000000000e+00, v10;
	v26 =	vadd.s32 v17, v21;
	v32 =	vmul.f32 $8.000000000e+00, v32  }
0xda: {  	v28 =	vadd.s32 v16, v30;
	v46 =	vmul.f32 $8.000000000e+00, v34;
	v40 =	vmul.f32 $8.000000000e+00, v40  }
0xdb: {  	v39 =	vshrl.u32 v39, $0x3;
	v41 =	vmul.f32 $8.000000000e+00, v41;
	v51 =	vmul.f32 $8.000000000e+00, v51  }
0xdc: {  	v10 =	vld [tilespmem:s30+$0xFFFFFF00];
	v9 =	vshrl.u32 v5, $0x3;
	v5 =	vadd.s32 v16, v8;
	v18 =	vadd.s32 v17, v8  }
0xdd: {  	v39 =	vshll.u32 v39, v1;
	v55 =	vor.u32 $0x1, v26;
	v26 =	vmul.f32 $8.000000000e+00, v57  }
0xde: {  	v25 =	vor.u32 $0x7, v5;
	v5 =	vmul.f32 $8.000000000e+00, v13;
	v9 =	vshll.u32 v9, v1  }
0xdf: {  	v13 =	vshrl.u32 v7, $0x3;
	v7 =	vadd.s32 v16, v21;
	v39 =	vbroadcast v39, $0x0  }
0xe0: {  	v27 =	vbroadcast v9, $0x0;
	v23 =	vor.u32 $0x1, v7;
	v13 =	vshll.u32 v13, v1  }
0xe1: {  	v9 =	vld [tilespmem:s30+$0xFFFFFE50];
	v42 =	vbroadcast v13, $0x0;
	v62 =	vadd.s32 v17, v39;
	v6 =	vmul.f32 $8.000000000e+00, v10  }
0xe2: {  	v37 =	vld [tilespmem:s30+$0xFFFFFE60];
	v10 =	vshrl.u32 v15, $0x3;
	v22 =	vadd.s32 v16, v27;
	v7 =	vadd.s32 v17, v27  }
0xe3: {  	v43 =	vld [tilespmem:s30+$0xFFFFFFC0];
	v12 =	vadd.s32 v19, v27;
	v10 =	vshll.u32 v10, v1;
	v31 =	vor.u32 $0x6, v7  }
0xe4: {  	v15 =	vld [tilespmem:s30+$0xFFFFFF90];
	v7 =	vadd.s32 v29, v8;
	v12 =	vor.u32 $0x6, v12;
	v22 =	vor.u32 $0x6, v22  }
0xe5: {  	v45 =	vld [tilespmem:s30+$0xFFFFFFB0];
	v8 =	vadd.s32 v19, v8;
	v60 =	vadd.s32 v16, v42;
	v47 =	vadd.s32 v17, v42  }
0xe6: {  	v48 =	vadd.s32 v19, v42;
	v35 =	vbroadcast v10, $0x0;
	v33 =	vmul.f32 $8.000000000e+00, v9;
	v9 =	vld [tilespmem:s30+$0xFFFFFF20]  }
0xe7: {  	v52 =	vld [tilespmem:s30+$0xFFFFFEA0];
	v42 =	vadd.s32 v29, v42;
	v7 =	vor.u32 $0x7, v7;
	v34 =	vor.u32 $0x4, v60  }
0xe8: {  	v49 =	vld [tilespmem:s30+$0xFFFFFE70];
	v10 =	vadd.s32 v17, v30;
	v47 =	vor.u32 $0x4, v47;
	v36 =	vadd.s32 v16, v35  }
0xe9: {  	v58 =	vld [tilespmem:s30+$0xFFFFFEC0];
	v8 =	vor.u32 $0x7, v8;
	v15 =	vmul.f32 $8.000000000e+00, v15;
	v36 =	vor.u32 $0x3, v36  }
0xea: {  	v13 =	vld [tilespmem:s30+$0xFFFFFE80];
	v48 =	vor.u32 $0x4, v48;
	v61 =	vor.u32 $0x4, v42;
	[tilespmem:v23+s21+$0x0] =	vst.idx.msk $0xffff, v33;
	v23 =	vadd.s32 v16, v39  }
0xeb: {  	v50 =	vld [tilespmem:s30+$0xFFFFFFA0];
	v42 =	vor.u32 $0x2, v62;
	v53 =	vor.u32 $0x2, v23;
	[tilespmem:v22+s21+$0x0] =	vst.idx.msk $0xffff, v15;
	v44 =	vmul.f32 $8.000000000e+00, v9  }
0xec: {  	v60 =	vmul.f32 $8.000000000e+00, v52;
	v62 =	vmul.f32 $8.000000000e+00, v37;
	v23 =	vadd.s32 v17, v35;
	[tilespmem:v34+s21+$0x0] =	vst.idx.msk $0xffff, v41  }
0xed: {  	v38 =	vadd.s32 v19, v35;
	v17 =	vadd.s32 v11, v17;
	v63 =	vor.u32 $0x3, v23;
	[tilespmem:v47+s21+$0x0] =	vst.idx.msk $0xffff, v44  }
0xee: {  	v54 =	vld [tilespmem:s30+$0xFFFFFEB0];
	v38 =	vor.u32 $0x3, v38;
	v15 =	vadd.s32 v19, v39;
	v39 =	vadd.s32 v29, v39;
	[tilespmem:v36+s21+$0x0] =	vst.idx.msk $0xffff, v20  }
0xef: {  	v59 =	vld [tilespmem:s30+$0xFFFFFFF0];
	v33 =	vmul.f32 $8.000000000e+00, v58;
	v23 =	vadd.s32 v11, v16;
	v16 =	vadd.s32 v29, v21;
	[tilespmem:v48+s21+$0x0] =	vst.idx.msk $0xffff, v32  }
0xf0: {  	v9 =	vadd.s32 v11, v29;
	v22 =	vor.u32 $0x2, v15;
	v15 =	vor.u32 $0x7, v18;
	[tilespmem:v53+s21+$0x0] =	vst.idx.msk $0xffff, v24;
	v24 =	vld [tilespmem:s30+$0xFFFFFF50]  }
0xf1: {  	v18 =	vadd.s32 v11, v19;
	v11 =	vadd.s32 v19, v21;
	v21 =	vor.u32 $0x1, v16;
	[tilespmem:v61+s21+$0x0] =	vst.idx.msk $0xffff, v46;
	v61 =	vld [tilespmem:s30+$0xFFFFFF80]  }
0xf2: {  	v34 =	vor.u32 $0x1, v11;
	v11 =	vadd.s32 v29, v35;
	v20 =	vor.u32 $0x2, v39;
	[tilespmem:v63+s21+$0x0] =	vst.idx.msk $0xffff, v40;
	v63 =	vld [tilespmem:s30+$0x0]  }
0xf3: {  	v37 =	vld [tilespmem:s30+$0xFFFFFE40];
	v36 =	vmul.f32 $8.000000000e+00, v54;
	v16 =	vor.u32 $0x3, v11;
	v32 =	vmul.f32 $8.000000000e+00, v49;
	[tilespmem:v42+s21+$0x0] =	vst.idx.msk $0xffff, v60  }
0xf4: {  	v35 =	vld [tilespmem:s30+$0xFFFFFF60];
	v42 =	vmul.f32 $8.000000000e+00, v45;
	[tilespmem:v38+s21+$0x0] =	vst.idx.msk $0xffff, v14;
	v14 =	vadd.s32 v29, v27;
	v27 =	vmul.f32 $8.000000000e+00, v50  }
0xf5: {  	[tilespmem:v25+s21+$0x0] =	vst.idx.msk $0xffff, v51;
	v40 =	vld [tilespmem:s30+$0xFFFFFE30];
	v25 =	vadd.s32 v29, v30;
	v38 =	vor.u32 $0x5, v28;
	v29 =	vmul.f32 $8.000000000e+00, v43  }
0xf6: {  	v11 =	vld [tilespmem:s30+$0xFFFFFE20];
	v39 =	vor.u32 $0x6, v14;
	[tilespmem:v31+s21+$0x0] =	vst.idx.msk $0xffff, v27;
	v27 =	vmul.f32 $8.000000000e+00, v59;
	v41 =	vmul.f32 $8.000000000e+00, v24  }
0xf7: {  	[tilespmem:v55+s21+$0x0] =	vst.idx.msk $0xffff, v62;
	v19 =	vadd.s32 v19, v30;
	v24 =	vld [tilespmem:s30+$0xFFFFFE10];
	s30 =	simm.s32 $0xA7F0;
	v28 =	vmul.f32 $8.000000000e+00, v61;
	v31 =	vmul.f32 $8.000000000e+00, v63  }
.LBB2_7:
0xf8: {  	s0 =	sadd.s32 $0x9, s29  }
0xf9: {  	v14 =	vld [tilespmem:s30+$0xFFFFFE60];
	s1 =	sadd.s32 $0xC, s29;
	v30 =	vmul.f32 $8.000000000e+00, v37;
	v37 =	vmul.f32 $8.000000000e+00, v35;
	v43 =	vor.u32 $0x5, v25;
	[tilespmem:v12+s21+$0x0] =	vst.idx.msk $0xffff, v42;
	s10 =	smov.u32 s29;
	s29 =	sadd.s32 $0x8, s29  }
0xfa: {  	v13 =	vmul.f32 $8.000000000e+00, v13;
	s12 =	sshrl.u32 s29, $0x7;
	s31 =	sand.u32 $0x78, s29;
	s0 =	sand.u32 $0x78, s0;
	v12 =	vld [tilespmem:s30+$0xFFFFFEF0];
	v25 =	vmul.f32 $8.000000000e+00, v40;
	[tilespmem:v38+s21+$0x0] =	vst.idx.msk $0xffff, v41;
	v38 =	vor.u32 $0x5, v19  }
0xfb: {  	s13 =	sadd.s32 $0xE, s10;
	v19 =	vmov s12;
	v35 =	vmov s31;
	v40 =	vmov s0;
	s12 =	sadd.s32 $0xD, s10;
	s31 =	sadd.s32 $0xF, s10;
	[tilespmem:v39+s21+$0x0] =	vst.idx.msk $0xffff, v29  }
0xfc: {  	s0 =	sand.u32 $0x78, s1;
	v29 =	vshrl.u32 v35, $0x3;
	v19 =	vmul.u32 $0x2200, v19;
	v35 =	vld [tilespmem:s30+$0xFFFFFF40];
	s1 =	sand.u32 $0x78, s12;
	s12 =	sand.u32 $0x78, s31;
	v24 =	vmul.f32 $8.000000000e+00, v24;
	[tilespmem:v22+s21+$0x0] =	vst.idx.msk $0xffff, v36  }
0xfd: {  	s13 =	sand.u32 $0x78, s13;
	s31 =	sadd.s32 $0xA, s10;
	s10 =	sadd.s32 $0xB, s10;
	v22 =	vshll.u32 v29, v1;
	v29 =	vshrl.u32 v40, $0x3;
	v36 =	vld [tilespmem:s30+$0xFFFFFED0];
	v39 =	vmov s12;
	[tilespmem:v34+s21+$0x0] =	vst.idx.msk $0xffff, v32  }
0xfe: {  	p0 =	slt.u32 s29, $0xF8;
	s10 =	sand.u32 $0x78, s10;
	v40 =	vbroadcast v19, $0x0;
	v32 =	vld [tilespmem:s30+$0xFFFFFE90];
	v34 =	vshrl.u32 v39, $0x3;
	v39 =	vmul.f32 $8.000000000e+00, v11;
	[tilespmem:v23+s21+$0x0] =	vst.idx.msk $0xffff, v24  }
0xff: {  	v11 =	vld [tilespmem:s30+$0xFFFFFE20];
	v19 =	vmul.f32 $8.000000000e+00, v12;
	v12 =	vmov s13;
	v24 =	vshll.u32 v34, v1;
	[tilespmem:v20+s21+$0x0] =	vst.idx.msk $0xffff, v33  }
0x100: {  	v10 =	vor.u32 $0x5, v10;
	v20 =	vmov s1;
	v23 =	vadd.s32 v0, v40;
	v41 =	vld [tilespmem:s30+$0xFFFFFF70];
	[tilespmem:v17+s21+$0x0] =	vst.idx.msk $0xffff, v39  }
0x101: {  	v17 =	vmov s10;
	v20 =	vshrl.u32 v20, $0x3;
	v39 =	vbroadcast v24, $0x0;
	[tilespmem:v18+s21+$0x0] =	vst.idx.msk $0xffff, v25  }
0x102: {  	v12 =	vshrl.u32 v12, $0x3;
	v18 =	vadd.s32 v2, v40;
	v34 =	vmul.f32 $8.000000000e+00, v36;
	[tilespmem:v21+s21+$0x0] =	vst.idx.msk $0xffff, v13  }
0x103: {  	v13 =	vshll.u32 v29, v1;
	v25 =	vadd.s32 v23, v39;
	v33 =	vmul.f32 $8.000000000e+00, v32;
	v21 =	vld [tilespmem:s30+$0xFFFFFF00];
	[tilespmem:v15+s21+$0x0] =	vst.idx.msk $0xffff, v26  }
0x104: {  	v24 =	vadd.s32 v3, v40;
	v15 =	vshll.u32 v20, v1;
	v25 =	vor.u32 $0x7, v25;
	[tilespmem:v8+s21+$0x0] =	vst.idx.msk $0xffff, v27  }
0x105: {  	v12 =	vshll.u32 v12, v1;
	v20 =	vadd.s32 v18, v39;
	v8 =	vmul.f32 $8.000000000e+00, v41;
	[tilespmem:v10+s21+$0x0] =	vst.idx.msk $0xffff, v37  }
0x106: {  	v26 =	vbroadcast v13, $0x0;
	v32 =	vbroadcast v12, $0x0;
	v10 =	vmov s0;
	[tilespmem:v9+s21+$0x0] =	vst.idx.msk $0xffff, v30  }
0x107: {  	v27 =	vadd.s32 v4, v40;
	v29 =	vbroadcast v15, $0x0;
	v36 =	vshrl.u32 v10, $0x3;
	v9 =	vld [tilespmem:s30+$0xFFFFFE50];
	[tilespmem:v38+s21+$0x0] =	vst.idx.msk $0xffff, v5;
	v5 =	vmovc v8  }
0x108: {  	v37 =	vadd.s32 v18, v26;
	v8 =	vadd.s32 v23, v26;
	v10 =	vmul.f32 $8.000000000e+00, v21;
	v30 =	vld [tilespmem:s30+$0xFFFFFFC0];
	[tilespmem:v43+s21+$0x0] =	vst.idx.msk $0xffff, v28  }
0x109: {  	v12 =	vshrl.u32 v17, $0x3;
	v17 =	vadd.s32 v23, v32;
	v28 =	vadd.s32 v23, v29;
	v15 =	vld [tilespmem:s30+$0xFFFFFF90];
	[tilespmem:v7+s21+$0x0] =	vst.idx.msk $0xffff, v31  }
0x10a: {  	v21 =	vor.u32 $0x1, v8;
	v8 =	vadd.s32 v24, v32;
	v7 =	vadd.s32 v18, v32;
	v38 =	vld [tilespmem:s30+$0xFFFFFF30];
	[tilespmem:v16+s21+$0x0] =	vst.idx.msk $0xffff, v6  }
0x10b: {  	v16 =	vshll.u32 v12, v1;
	v31 =	vor.u32 $0x6, v7;
	v7 =	vadd.s32 v27, v39;
	v6 =	vmovc v10;
	v42 =	vld [tilespmem:s30+$0xFFFFFFB0]  }
0x10c: {  	v12 =	vor.u32 $0x6, v8;
	v7 =	vor.u32 $0x7, v7;
	v9 =	vmul.f32 $8.000000000e+00, v9;
	v40 =	vld [tilespmem:s30+$0xFFFFFF20]  }
0x10d: {  	v17 =	vor.u32 $0x6, v17;
	v8 =	vadd.s32 v24, v39;
	v16 =	vbroadcast v16, $0x0;
	v13 =	vld [tilespmem:s30+$0xFFFFFE80]  }
0x10e: {  	v10 =	vadd.s32 v18, v29;
	v8 =	vor.u32 $0x7, v8;
	v39 =	vld [tilespmem:s30+$0xFFFFFE70];
	v15 =	vmul.f32 $8.000000000e+00, v15  }
0x10f: {  	s0 =	sand.u32 $0x78, s31;
	v41 =	vadd.s32 v24, v16;
	[tilespmem:v21+s21+$0x0] =	vst.idx.msk $0xffff, v9;
	v21 =	vadd.s32 v23, v16;
	v38 =	vmul.f32 $8.000000000e+00, v38;
	v43 =	vld [tilespmem:s30+$0xFFFFFFA0]  }
0x110: {  	v44 =	vbroadcast v22, $0x0;
	v36 =	vshll.u32 v36, v1;
	v9 =	vmov s0;
	v22 =	vld [tilespmem:s30+$0xFFFFFEE0]  }
0x111: {  	v36 =	vbroadcast v36, $0x0;
	v45 =	vshrl.u32 v9, $0x3;
	v46 =	vld [tilespmem:s30+$0xFFFFFF10];
	v40 =	vmul.f32 $8.000000000e+00, v40  }
0x112: {  	v47 =	vmul.f32 $8.000000000e+00, v35;
	v9 =	vadd.s32 v44, v27;
	v45 =	vshll.u32 v45, v1;
	[tilespmem:v17+s21+$0x0] =	vst.idx.msk $0xffff, v15  }
0x113: {  	v35 =	vadd.s32 v24, v36;
	v15 =	vadd.s32 v23, v36;
	v17 =	vadd.s32 v18, v36  }
0x114: {  	v49 =	vor.u32 $0x4, v35;
	v15 =	vor.u32 $0x4, v15;
	v48 =	vor.u32 $0x4, v17  }
0x115: {  	v17 =	vbroadcast v45, $0x0;
	v45 =	vmul.f32 $8.000000000e+00, v22;
	v22 =	vadd.s32 v27, v36  }
0x116: {  	v21 =	vor.u32 $0x3, v21;
	v36 =	vmul.f32 $8.000000000e+00, v46;
	v46 =	vor.u32 $0x4, v22;
	v35 =	vld [tilespmem:s30+$0xFFFFFF60]  }
0x117: {  	v50 =	vadd.s32 v18, v17;
	v51 =	vadd.s32 v24, v17;
	v22 =	vadd.s32 v23, v17;
	v52 =	vld [tilespmem:s30+$0xFFFFFFD0]  }
0x118: {  	v50 =	vor.u32 $0x2, v50;
	v54 =	vor.u32 $0x2, v22;
	v22 =	vor.u32 $0x2, v51;
	v53 =	vld [tilespmem:s30+$0xFFFFFEA0]  }
0x119: {  	v56 =	vadd.s32 v18, v16;
	v55 =	vadd.s32 v27, v17;
	v51 =	vld [tilespmem:s30+$0xFFFFFEB0];
	[tilespmem:v15+s21+$0x0] =	vst.idx.msk $0xffff, v36;
	v15 =	vor.u32 $0x7, v20  }
0x11a: {  	v17 =	vadd.s32 v44, v18;
	v20 =	vor.u32 $0x2, v55;
	v55 =	vor.u32 $0x3, v56;
	[tilespmem:v48+s21+$0x0] =	vst.idx.msk $0xffff, v40;
	v40 =	vld [tilespmem:s30+$0xFFFFFFE0]  }
0x11b: {  	v41 =	vor.u32 $0x3, v41;
	v23 =	vadd.s32 v44, v23;
	v18 =	vadd.s32 v44, v24;
	v44 =	vld [tilespmem:s30+$0xFFFFFEC0];
	[tilespmem:v21+s21+$0x0] =	vst.idx.msk $0xffff, v34  }
0x11c: {  	v48 =	vor.u32 $0x1, v37;
	v21 =	vadd.s32 v24, v26;
	v26 =	vadd.s32 v27, v26;
	[tilespmem:v49+s21+$0x0] =	vst.idx.msk $0xffff, v38;
	v49 =	vld [tilespmem:s30+$0xFFFFFFF0]  }
0x11d: {  	v34 =	vor.u32 $0x1, v21;
	v21 =	vor.u32 $0x1, v26;
	v53 =	vmul.f32 $8.000000000e+00, v53;
	[tilespmem:v54+s21+$0x0] =	vst.idx.msk $0xffff, v33;
	v54 =	vld [tilespmem:s30+$0xFFFFFF50]  }
0x11e: {  	v16 =	vadd.s32 v27, v16;
	v36 =	vmul.f32 $8.000000000e+00, v51;
	[tilespmem:v46+s21+$0x0] =	vst.idx.msk $0xffff, v47;
	v46 =	vld [tilespmem:s30+$0xFFFFFF80];
	v47 =	vmul.f32 $8.000000000e+00, v52  }
0x11f: {  	v14 =	vmul.f32 $8.000000000e+00, v14;
	v16 =	vor.u32 $0x3, v16;
	[tilespmem:v55+s21+$0x0] =	vst.idx.msk $0xffff, v45;
	v26 =	vmul.f32 $8.000000000e+00, v40;
	v45 =	vld [tilespmem:s30+$0x0]  }
.Ltmp4:
0x120: {  	v38 =	vor.u32 $0x5, v28;
	v37 =	vld [tilespmem:s30+$0xFFFFFE40];
	v33 =	vmul.f32 $8.000000000e+00, v44;
	[tilespmem:v41+s21+$0x0] =	vst.idx.msk $0xffff, v19;
	v19 =	vadd.s32 v27, v32;
	(pc) =	sbr.rel @p0 .LBB2_7-.Ltmp4, $4  }
0x121: {  	v43 =	vmul.f32 $8.000000000e+00, v43;
	v32 =	vmul.f32 $8.000000000e+00, v39;
	v40 =	vld [tilespmem:s30+$0xFFFFFE30];
	[tilespmem:v50+s21+$0x0] =	vst.idx.msk $0xffff, v53;
	v39 =	vor.u32 $0x6, v19  }
0x122: {  	v42 =	vmul.f32 $8.000000000e+00, v42;
	v19 =	vadd.s32 v24, v29;
	v41 =	vmul.f32 $8.000000000e+00, v54;
	[tilespmem:v25+s21+$0x0] =	vst.idx.msk $0xffff, v47  }
0x123: {  	v25 =	vadd.s32 v27, v29;
	v27 =	vmul.f32 $8.000000000e+00, v49;
	v24 =	vld [tilespmem:s30+$0xFFFFFE10];
	v28 =	vmul.f32 $8.000000000e+00, v46;
	[tilespmem:v31+s21+$0x0] =	vst.idx.msk $0xffff, v43  }
0x124: {  	v29 =	vmul.f32 $8.000000000e+00, v30;
	s30 =	sadd.s32 $0x200, s30;
	[tilespmem:v48+s21+$0x0] =	vst.idx.msk $0xffff, v14;
	v31 =	vmul.f32 $8.000000000e+00, v45  }
0x125: {  	_ =	sdelay $0x3  }
0x126: {  	[tilespmem:v12+s21+$0x0] =	vst.idx.msk $0xffff, v42  }
0x127: {  	[tilespmem:v38+s21+$0x0] =	vst.idx.msk $0xffff, v41  }
0x128: {  	[tilespmem:v22+s21+$0x0] =	vst.idx.msk $0xffff, v36  }
0x129: {  	[tilespmem:v34+s21+$0x0] =	vst.idx.msk $0xffff, v32  }
0x12a: {  	[tilespmem:v15+s21+$0x0] =	vst.idx.msk $0xffff, v26  }
0x12b: {  	[tilespmem:v16+s21+$0x0] =	vst.idx.msk $0xffff, v6  }
0x12c: {  	[tilespmem:v39+s21+$0x0] =	vst.idx.msk $0xffff, v29  }
0x12d: {  	v13 =	vmul.f32 $8.000000000e+00, v13;
	v10 =	vor.u32 $0x5, v10;
	[tilespmem:v20+s21+$0x0] =	vst.idx.msk $0xffff, v33  }
0x12e: {  	[tilespmem:v8+s21+$0x0] =	vst.idx.msk $0xffff, v27  }
0x12f: {  	v61 =	vor.u32 $0x5, v19;
	[tilespmem:v21+s21+$0x0] =	vst.idx.msk $0xffff, v13;
	v59 =	vmul.f32 $8.000000000e+00, v24  }
0x130: {  	v62 =	vmul.f32 $8.000000000e+00, v35;
	[tilespmem:v7+s21+$0x0] =	vst.idx.msk $0xffff, v31  }
0x131: {  	v11 =	vmul.f32 $8.000000000e+00, v11;
	v63 =	vor.u32 $0x5, v25;
	[tilespmem:v23+s21+$0x0] =	vst.idx.msk $0xffff, v59  }
0x132: {  	[tilespmem:v10+s21+$0x0] =	vst.idx.msk $0xffff, v62  }
0x133: {  	v60 =	vmul.f32 $8.000000000e+00, v40;
	[tilespmem:v17+s21+$0x0] =	vst.idx.msk $0xffff, v11  }
0x134: {  	[tilespmem:v61+s21+$0x0] =	vst.idx.msk $0xffff, v5  }
0x135: {  	v14 =	vmul.f32 $8.000000000e+00, v37;
	[tilespmem:v18+s21+$0x0] =	vst.idx.msk $0xffff, v60  }
0x136: {  	[tilespmem:v63+s21+$0x0] =	vst.idx.msk $0xffff, v28  }
0x137: {  	s10 =	sadd.s32 s28, s7;
	s0 =	simm.s32 $0x12800;
	[tilespmem:v9+s21+$0x0] =	vst.idx.msk $0xffff, v14  }
0x138: {  	[hbm4b:s10+s3] =	stream.linear.scatter [tilespmem:s0], [sflag:$0x4], $0x80, $0x38;
	[tilespmem:$0x16C00] =	vst v63  }
0x139: {  	s12 =	simm.s32 $0x12888;
	s1 =	sadd.s32 $0x10, s10  }
0x13a: {  	[hbm4b:s1+s3] =	stream.linear.scatter [tilespmem:s12], [sflag:$0x4], $0x80, $0x38;
	[tilespmem:$0x16C00] =	vst v63  }
0x13b: {  	s13 =	simm.s32 $0x12910;
	s28 =	simm.s32 $0x440;
	s31 =	sadd.s32 $0x20, s10  }
0x13c: {  	[hbm4b:s31+s3] =	stream.linear.scatter [tilespmem:s13], [sflag:$0x4], $0x80, $0x38;
	[tilespmem:$0x16C00] =	vst v63  }
0x13d: {  	s30 =	simm.s32 $0x12BB8;
	s1 =	simm.s32 $0x12998;
	s12 =	sadd.s32 $0x30, s10  }
0x13e: {  	[hbm4b:s12+s3] =	stream.linear.scatter [tilespmem:s1], [sflag:$0x4], $0x80, $0x38;
	[tilespmem:$0x16C00] =	vst v63  }
0x13f: {  	s29 =	sadd.s32 $0x1000, s10;
	s13 =	simm.s32 $0x12A20;
	s31 =	sadd.s32 $0x40, s10  }
0x140: {  	[hbm4b:s31+s3] =	stream.linear.scatter [tilespmem:s13], [sflag:$0x4], $0x80, $0x38;
	[tilespmem:$0x16C00] =	vst v63  }
0x141: {  	s0 =	simm.s32 $0x2200;
	s1 =	simm.s32 $0x12AA8;
	s12 =	sadd.s32 $0x50, s10  }
0x142: {  	[hbm4b:s12+s3] =	stream.linear.scatter [tilespmem:s1], [sflag:$0x4], $0x80, $0x38;
	[tilespmem:$0x16C00] =	vst v63  }
0x143: {  	s13 =	simm.s32 $0x12B30;
	s31 =	sadd.s32 $0x60, s10;
	s1 =	sadd.s32 $0x70, s10  }
0x144: {  	[hbm4b:s31+s3] =	stream.linear.scatter [tilespmem:s13], [sflag:$0x4], $0x80, $0x38;
	[tilespmem:$0x16C00] =	vst v63  }
.LBB2_9:
0x145: {  	[hbm4b:s1+s3] =	stream.linear.scatter [tilespmem:s30], [sflag:$0x4], $0x80, $0x38;
	[tilespmem:$0x16C00] =	vst v63  }
0x146: {  	s1 =	smov.u32 s28;
	s10 =	smov.u32 s0  }
0x147: {  	s28 =	sshra.s32 s10, $0x2;
	s10 =	sadd.s32 $0x1100, s0;
	s12 =	sadd.s32 $0x12800, s1  }
0x148: {  	[hbm4b:s29+s3] =	stream.linear.scatter [tilespmem:s12], [sflag:$0x4], $0x80, $0x38;
	[tilespmem:$0x16C00] =	vst v63  }
0x149: {  	p0 =	sne.s32 s0, $0xFF00;
	s0 =	sadd.s32 $0x12888, s1;
	s12 =	sadd.s32 $0x10, s29  }
0x14a: {  	[hbm4b:s12+s3] =	stream.linear.scatter [tilespmem:s0], [sflag:$0x4], $0x80, $0x38;
	[tilespmem:$0x16C00] =	vst v63  }
0x14b: {  	s0 =	sadd.s32 $0x12910, s1;
	s12 =	sadd.s32 $0x20, s29  }
0x14c: {  	[hbm4b:s12+s3] =	stream.linear.scatter [tilespmem:s0], [sflag:$0x4], $0x80, $0x38;
	[tilespmem:$0x16C00] =	vst v63  }
0x14d: {  	s0 =	sadd.s32 $0x12998, s1;
	s12 =	sadd.s32 $0x30, s29  }
0x14e: {  	[hbm4b:s12+s3] =	stream.linear.scatter [tilespmem:s0], [sflag:$0x4], $0x80, $0x38;
	[tilespmem:$0x16C00] =	vst v63  }
0x14f: {  	s0 =	sadd.s32 $0x12A20, s1;
	s12 =	sadd.s32 $0x40, s29  }
0x150: {  	[hbm4b:s12+s3] =	stream.linear.scatter [tilespmem:s0], [sflag:$0x4], $0x80, $0x38;
	[tilespmem:$0x16C00] =	vst v63  }
.Ltmp5:
0x151: {  	s0 =	sadd.s32 $0x12AA8, s1;
	s12 =	sadd.s32 $0x50, s29;
	(pc) =	sbr.rel @p0 .LBB2_9-.Ltmp5, $4  }
0x152: {  	[hbm4b:s12+s3] =	stream.linear.scatter [tilespmem:s0], [sflag:$0x4], $0x80, $0x38;
	[tilespmem:$0x16C00] =	vst v63  }
0x153: {  	s30 =	sadd.s32 $0x12BB8, s1;
	s0 =	sadd.s32 $0x12B30, s1;
	s12 =	sadd.s32 $0x60, s29  }
0x154: {  	[hbm4b:s12+s3] =	stream.linear.scatter [tilespmem:s0], [sflag:$0x4], $0x80, $0x38;
	[tilespmem:$0x16C00] =	vst v63  }
0x155: {  	s1 =	sadd.s32 $0x70, s29;
	s29 =	sadd.s32 $0x1000, s29;
	s0 =	smov.u32 s10  }
0x156: {  	[hbm4b:s1+s3] =	stream.linear.scatter [tilespmem:s30], [sflag:$0x4], $0x80, $0x38;
	[tilespmem:$0x16C00] =	vst v63  }
0x157: {  	s0 =	sadd.s32 $0x12800, s28  }
0x158: {  	[hbm4b:s29+s3] =	stream.linear.scatter [tilespmem:s0], [sflag:$0x4], $0x80, $0x38;
	[tilespmem:$0x16C00] =	vst v63  }
0x159: {  	s30 =	sadd.s32 $0x12888, s28;
	s31 =	sadd.s32 $0x10, s29  }
0x15a: {  	[hbm4b:s31+s3] =	stream.linear.scatter [tilespmem:s30], [sflag:$0x4], $0x80, $0x38;
	[tilespmem:$0x16C00] =	vst v63  }
0x15b: {  	s1 =	sadd.s32 $0x12910, s28;
	s10 =	sadd.s32 $0x20, s29  }
0x15c: {  	[hbm4b:s10+s3] =	stream.linear.scatter [tilespmem:s1], [sflag:$0x4], $0x80, $0x38;
	[tilespmem:$0x16C00] =	vst v63  }
0x15d: {  	s12 =	sadd.s32 $0x12998, s28;
	s13 =	sadd.s32 $0x30, s29  }
0x15e: {  	[hbm4b:s13+s3] =	stream.linear.scatter [tilespmem:s12], [sflag:$0x4], $0x80, $0x38;
	[tilespmem:$0x16C00] =	vst v63  }
0x15f: {  	s30 =	sadd.s32 $0x12A20, s28;
	s31 =	sadd.s32 $0x40, s29  }
0x160: {  	[hbm4b:s31+s3] =	stream.linear.scatter [tilespmem:s30], [sflag:$0x4], $0x80, $0x38;
	[tilespmem:$0x16C00] =	vst v63  }
0x161: {  	s1 =	sadd.s32 $0x12AA8, s28;
	s10 =	sadd.s32 $0x50, s29  }
0x162: {  	[hbm4b:s10+s3] =	stream.linear.scatter [tilespmem:s1], [sflag:$0x4], $0x80, $0x38;
	[tilespmem:$0x16C00] =	vst v63  }
.Ltmp6:
0x163: {  	_ = 	snop;
	(pc) =	sbr.rel @p1 .LBB2_12-.Ltmp6, $4  }
0x164: {  	s12 =	sadd.s32 $0x12B30, s28;
	s13 =	sadd.s32 $0x60, s29  }
0x165: {  	[hbm4b:s13+s3] =	stream.linear.scatter [tilespmem:s12], [sflag:$0x4], $0x80, $0x38;
	[tilespmem:$0x16C00] =	vst v63  }
0x166: {  	s30 =	sadd.s32 $0x12BB8, s28;
	s31 =	sadd.s32 $0x70, s29  }
0x167: {  	[hbm4b:s31+s3] =	stream.linear.scatter [tilespmem:s30], [sflag:$0x4], $0x80, $0x38;
	[tilespmem:$0x16C00] =	vst v63  }
.Ltmp7:
0x168: {  	s0 =	sshrl.u32 s26, $0x2;
	(pc) =	sbr.rel .LBB2_2-.Ltmp7, $4  }
0x169: {  	s1 =	sadd.s32 $0x300, s0  }
0x16a: {  	[tilespmem:s15], [sflag:$0x2] =	stream.indirect.gather [hbm4b:s4+s9], $0x40, s1, s9, $0xb8;
	[tilespmem:$0x16C00] =	vst v63  }
0x16b: {  	s25 =	sadd.s32 $0x1, s25;
	s0 =	sadd.s32 $0x380, s0  }
0x16c: {  	[tilespmem:s17], [sflag:$0x2] =	stream.indirect.gather [hbm4b:s4+s9], $0x40, s0, s9, $0xb8;
	[tilespmem:$0x16C00] =	vst v63  }
.LBB2_13:
0x16d: {  	_ =	sfence.sel $0x180000  }
0x16e: {  	[bflag:$0x0] =	sbarrier.arrive $0xFFFF  }
0x16f: {  	_ =	strace $0x90000047  }
0x170: {  	s0 =	stileid.u32;
	[bflag:$0x2] =	sbarrier.arrive $0xFFFF  }
0x171: {  	p0 =	sne.s32 s0, $0x0;
	s0 =	rddreg [dreg:$0x2]  }
0x172: {  	s0 =	sadd.s32 @!p0 $0x100000, s0  }
0x173: {  	[sflag:s0] =	ssyncadd.tile.s32 @!p0 $0x1;
	_ =	shalt  }
.Lfunc_end2:
_tile_overlayer_lowered:
.L_overlay_start_2:
0x174: {  	(tag) =	ssettag $0x2  }
0x175: {  	s0 =	rddreg [dreg:$0x0];
	s2 =	stileid.u32  }
0x176: {  	s1 =	rddreg [dreg:$0x1];
	p0 =	sne.s32 s2, $0x0  }
0x177: {  	s3 =	rddreg [dreg:$0x2];
	[bflag:$0x3] =	sbarrier.arrive $0xFFFF;
	s2 =	simm.s32 @!p0 $0x1C05  }
0x178: {  	[timem:s3], [sflag:s2] =	dma.local @!p0 [hbm:s0], s1  }
0x179: {  	s0 =	simm.s32 @!p0 $0x5  }
0x17a: {  	_ =	swait.ge @!p0 [sflag:s0], s1  }
0x17b: {  	s1 =	ssub.s32 @!p0 $0x0, s1;
	[sflag:s0] =	ssyncset.done @!p0 $0x0  }
0x17c: {  	[sflag:s0] =	ssyncadd.s32 @!p0 s1  }
0x17d: {  	[bflag:$0x3] =	sbarrier.arrive $0xFFFF  }
0x17e: {  	_ =	shalt  }

</sc_bundles>
